<compile_context>
chip_gen: v7x
topology: tpu7x:2x2x1
jax: 0.10.2.dev20260603
libtpu: 0.0.44.dev20260713+nightly
codegen_flags: <defaults>
</compile_context>

<pallas_src>
import functools

import jax
import jax.numpy as jnp
from jax import lax
from jax.experimental import pallas as pl
from jax.experimental.pallas import tpu as pltpu
from jax.experimental.pallas import tpu_sc as plsc

E = 64
K = 2
D = 768
F = 512
T = 4096
BM = 128
G = 128
PAD_CAP = G * BM
TB = 512
RB = 512
CH = 64



def _gate_route_body(x_ref, wg_ref, w_ref, dest_ref, be_ref, na_ref):
    logits = jnp.dot(x_ref[...], wg_ref[...], preferred_element_type=jnp.float32)
    iota = lax.broadcasted_iota(jnp.int32, logits.shape, 1)
    m1 = jnp.max(logits, axis=1, keepdims=True)
    e1 = jnp.min(jnp.where(logits == m1, iota, E), axis=1, keepdims=True)
    masked = jnp.where(iota == e1, -jnp.inf, logits)
    m2 = jnp.max(masked, axis=1, keepdims=True)
    e2 = jnp.min(jnp.where(masked == m2, iota, E), axis=1, keepdims=True)
    z = jnp.exp(m2 - m1)
    denom = 1.0 + z
    w_ref[...] = jnp.concatenate([1.0 / denom, z / denom], axis=1)

    nb = T // RB
    f32 = jnp.float32
    ir = lax.broadcasted_iota(jnp.int32, (RB, RB), 0)
    ic = lax.broadcasted_iota(jnp.int32, (RB, RB), 1)
    eye = (ir == ic).astype(f32)
    upper = (ir < ic).astype(f32)
    iota_e = lax.broadcasted_iota(jnp.int32, (E, 1), 0).astype(f32)
    lr = lax.broadcasted_iota(jnp.int32, (E, E), 0)
    lc = lax.broadcasted_iota(jnp.int32, (E, E), 1)
    lower = (lr >= lc).astype(f32)
    ek = (e1.astype(f32), e2.astype(f32))

    ohs, offs = [], []
    counts = jnp.zeros((E, 1), f32)
    for kk in range(K):
        for b in range(nb):
            e_col = lax.slice(ek[kk], (b * RB, 0), ((b + 1) * RB, 1))
            e_row = jnp.sum(e_col * eye, axis=0, keepdims=True)
            oh = (iota_e == e_row).astype(f32)
            ohs.append(oh)
            offs.append(counts)
            counts = counts + jnp.sum(oh, axis=1, keepdims=True)

    padded = jnp.floor((counts + (BM - 1)) * (1.0 / BM)) * BM
    cum = jnp.dot(lower, padded, preferred_element_type=f32)
    start = cum - padded
    total = cum[E - 1:E, :]
    na = total * (1.0 / BM)

    for kk in range(K):
        for b in range(nb):
            i = kk * nb + b
            oh = ohs[i]
            rank = jnp.dot(oh, upper, preferred_element_type=f32)
            val = rank + offs[i] + start
            dest_row = jnp.sum(oh * val, axis=0, keepdims=True)
            dest_ref[kk:kk + 1, b * RB:(b + 1) * RB] = dest_row.astype(jnp.int32)

    iota_g = lax.broadcasted_iota(jnp.int32, (1, G), 1).astype(f32)
    slots = iota_g * BM
    be_raw = jnp.sum((cum <= slots).astype(f32), axis=0, keepdims=True)
    sel_last = (iota_g == (na - 1.0)).astype(f32)
    be_last = jnp.sum(be_raw * sel_last, axis=1, keepdims=True)
    be = jnp.where(slots < total, be_raw, be_last)
    be_ref[...] = be.astype(jnp.int32)
    na_ref[...] = na.astype(jnp.int32)


def _gate_route(x, Wg):
    return pl.pallas_call(
        _gate_route_body,
        out_shape=[
            jax.ShapeDtypeStruct((T, K), jnp.float32),
            jax.ShapeDtypeStruct((K, T), jnp.int32),
            jax.ShapeDtypeStruct((1, G), jnp.int32),
            jax.ShapeDtypeStruct((1, 1), jnp.int32),
        ],
    )(x, Wg)



def _sc_scatter_dispatch(x, idx3):
    info = plsc.get_sparse_core_info()
    nw = info.num_cores * info.num_subcores
    pt = T // nw
    n_ch = pt // CH
    mesh = plsc.VectorSubcoreMesh(core_axis_name="c", subcore_axis_name="s")

    @functools.partial(
        pl.kernel,
        out_type=jax.ShapeDtypeStruct((PAD_CAP, D), jnp.float32),
        mesh=mesh,
        scratch_types=[
            pltpu.VMEM((K * n_ch, CH), jnp.int32),
            pltpu.VMEM((CH, D), jnp.float32),
            pltpu.VMEM((CH, D), jnp.float32),
            pltpu.SemaphoreType.DMA,
            pltpu.SemaphoreType.DMA,
            pltpu.SemaphoreType.DMA,
        ],
    )
    def k(x_hbm, idx_hbm, out_hbm, idx_v, rows0, rows1, sl0, sl1, ss):
        wid = lax.axis_index("s") * info.num_cores + lax.axis_index("c")
        base_t = wid * pt
        base_c = wid * n_ch
        for kk in range(K):
            pltpu.sync_copy(idx_hbm.at[kk, pl.ds(base_c, n_ch)],
                            idx_v.at[pl.ds(kk * n_ch, n_ch)])
        bufs = (rows0, rows1)
        lsems = (sl0, sl1)
        loads = [pltpu.async_copy(x_hbm.at[pl.ds(base_t + j * CH, CH)],
                                  bufs[j], lsems[j]) for j in range(n_ch)]
        scats = []
        for j in range(n_ch):
            loads[j].wait()
            for kk in range(K):
                scats.append(pltpu.async_copy(
                    bufs[j], out_hbm.at[idx_v.at[kk * n_ch + j]], ss))
        for s in scats:
            s.wait()

    return k(x, idx3)



def _sc_gather(table, idx, n_rows):
    info = plsc.get_sparse_core_info()
    nw = info.num_cores * info.num_subcores
    per_w = n_rows // nw
    ch = min(per_w, CH)
    n_ch = per_w // ch
    mesh = plsc.VectorSubcoreMesh(core_axis_name="c", subcore_axis_name="s")

    @functools.partial(
        pl.kernel,
        out_type=jax.ShapeDtypeStruct((n_rows, D), jnp.float32),
        mesh=mesh,
        scratch_types=[
            pltpu.VMEM((per_w,), jnp.int32),
            pltpu.VMEM((ch, D), jnp.float32),
            pltpu.VMEM((ch, D), jnp.float32),
            pltpu.SemaphoreType.DMA,
            pltpu.SemaphoreType.DMA,
            pltpu.SemaphoreType.DMA,
        ],
    )
    def k(table_hbm, idx_hbm, out_hbm, idx_v, rows0, rows1, sg0, sg1, sw):
        wid = lax.axis_index("s") * info.num_cores + lax.axis_index("c")
        base_w = wid * per_w
        bufs = (rows0, rows1)
        gsems = (sg0, sg1)
        pltpu.sync_copy(idx_hbm.at[pl.ds(base_w, per_w)], idx_v)

        def chunk_src(j):
            return table_hbm.at[idx_v.at[pl.ds(j * ch, ch)]]

        cur = pltpu.async_copy(chunk_src(0), bufs[0], gsems[0])
        wb = None
        for j in range(n_ch):
            cur.wait()
            if wb is not None:
                wb.wait()
            wb = pltpu.async_copy(bufs[j % 2],
                                  out_hbm.at[pl.ds(base_w + j * ch, ch)], sw)
            if j + 1 < n_ch:
                cur = pltpu.async_copy(chunk_src(j + 1),
                                       bufs[(j + 1) % 2], gsems[(j + 1) % 2])
        wb.wait()

    return k(table, idx)



def _gmm_body(be_ref, na_ref, x_ref, w1_ref, w2_ref, w3_ref, o_ref):
    i = pl.program_id(0)

    @pl.when(i < na_ref[0])
    def _compute():
        xb = x_ref[...]
        a = lax.dot_general(xb, w1_ref[0], (((1,), (1,)), ((), ())),
                            preferred_element_type=jnp.float32)
        b = lax.dot_general(xb, w3_ref[0], (((1,), (1,)), ((), ())),
                            preferred_element_type=jnp.float32)
        h = a * jax.nn.sigmoid(a) * b
        o_ref[...] = lax.dot_general(h, w2_ref[0], (((1,), (1,)), ((), ())),
                                     preferred_element_type=jnp.float32)


def _gmm(x_sorted, w1, w2, w3, block_expert, num_active):
    grid_spec = pltpu.PrefetchScalarGridSpec(
        num_scalar_prefetch=2,
        grid=(G,),
        in_specs=[
            pl.BlockSpec((BM, D), lambda i, be, na: (jnp.minimum(i, na[0] - 1), 0)),
            pl.BlockSpec((1, F, D), lambda i, be, na: (be[i], 0, 0)),
            pl.BlockSpec((1, D, F), lambda i, be, na: (be[i], 0, 0)),
            pl.BlockSpec((1, F, D), lambda i, be, na: (be[i], 0, 0)),
        ],
        out_specs=pl.BlockSpec((BM, D),
                               lambda i, be, na: (jnp.minimum(i, na[0] - 1), 0)),
    )
    return pl.pallas_call(
        _gmm_body,
        grid_spec=grid_spec,
        out_shape=jax.ShapeDtypeStruct((PAD_CAP, D), jnp.float32),
    )(block_expert, num_active, x_sorted, w1, w2, w3)



def _combine_body(w_ref, z0_ref, z1_ref, o_ref):
    o_ref[...] = w_ref[:, 0:1] * z0_ref[...] + w_ref[:, 1:2] * z1_ref[...]


def _combine(wts, z):
    return pl.pallas_call(
        _combine_body,
        grid=(T // TB,),
        in_specs=[
            pl.BlockSpec((TB, K), lambda i: (i, 0)),
            pl.BlockSpec((TB, D), lambda i: (i, 0)),
            pl.BlockSpec((TB, D), lambda i: (T // TB + i, 0)),
        ],
        out_specs=pl.BlockSpec((TB, D), lambda i: (i, 0)),
        out_shape=jax.ShapeDtypeStruct((T, D), jnp.float32),
    )(wts, z, z)


def kernel(x, Wg, w1, w2, w3):
    wts, dest, block_expert, num_active = _gate_route(x, Wg)
    x_sorted = _sc_scatter_dispatch(x, dest.reshape(K, T // CH, CH))
    out_sorted = _gmm(x_sorted, w1, w2, w3,
                      block_expert.reshape(G), num_active.reshape(1))
    z = _sc_gather(out_sorted, dest.reshape(K * T), T * K)
    return _combine(wts, z)

# --- scband reference (transcript-rebuilt; emitter-appended) ---
"""Pipeline reference for scband-moe-layer-6073083756562 (READ-ONLY COPY).

The authoritative reference and input builder live on the scoring server;
editing this copy changes nothing except your own understanding.
"""

import jax, jax.numpy as jnp
import numpy as np

NUM_EXPERTS = 64
TOP_K = 2
D_MODEL = 768
D_FF = 512
N_TOKENS = 4096


def setup_inputs(seed: int = 0) -> dict:
    key = jax.random.key(seed)
    ks = jax.random.split(key, 5)
    x = jax.random.normal(ks[0], (N_TOKENS, D_MODEL), dtype=jnp.float32)
    Wg = jax.random.normal(ks[1], (D_MODEL, NUM_EXPERTS), dtype=jnp.float32) * 0.02
    w1 = jax.random.normal(ks[2], (NUM_EXPERTS, D_FF, D_MODEL), dtype=jnp.float32) * 0.02
    w2 = jax.random.normal(ks[3], (NUM_EXPERTS, D_MODEL, D_FF), dtype=jnp.float32) * 0.02
    w3 = jax.random.normal(ks[4], (NUM_EXPERTS, D_FF, D_MODEL), dtype=jnp.float32) * 0.02
    return {"x": x, "Wg": Wg, "w1": w1, "w2": w2, "w3": w3}


def reference(x, Wg, w1, w2, w3):
    # gate: nn.Linear(d_model, num_experts, bias=False)
    gate_logits = x @ Wg  # [T, E]
    weights, selected_experts = jax.lax.top_k(gate_logits, TOP_K)  # [T, k], [T, k]
    weights = jax.nn.softmax(weights.astype(jnp.float32), axis=1).astype(x.dtype)
    results = jnp.zeros_like(x)
    for i in range(NUM_EXPERTS):
        mask = selected_experts == i  # [T, k]; top_k slots are distinct, at most one match per token
        gate_i = jnp.sum(jnp.where(mask, weights, jnp.zeros_like(weights)), axis=1)  # [T]
        # SwiGLU expert: w2 @ (silu(w1 x) * (w3 x))
        h = jax.nn.silu(x @ w1[i].T) * (x @ w3[i].T)
        expert_out = h @ w2[i].T
        results = results + gate_i[:, None] * expert_out
    return results

if __name__ == "__main__":
    import jax
    _d = setup_inputs()
    print(jax.jit(kernel)(*tuple(_d.values())))

</pallas_src>

<mosaic_0001>
#map = affine_map<(d0, d1) -> (0, 0)>
#map1 = affine_map<(d0, d1) -> (0, 0, 0)>
module attributes {stable_mosaic.version = 14 : i64} {
  func.func @k(%arg0: i32, %arg1: i32, %arg2: memref<4096x768xf32, #tpu.memory_space<hbm>>, %arg3: memref<2x64x64xi32, #tpu.memory_space<hbm>>, %arg4: memref<16384x768xf32, #tpu.memory_space<hbm>>, %arg5: memref<4x64xi32, #tpu.memory_space<vmem>>, %arg6: memref<64x768xf32, #tpu.memory_space<vmem>>, %arg7: memref<64x768xf32, #tpu.memory_space<vmem>>, %arg8: memref<!tpu.dma_semaphore, #tpu.memory_space<semaphore_mem>>, %arg9: memref<!tpu.dma_semaphore, #tpu.memory_space<semaphore_mem>>, %arg10: memref<!tpu.dma_semaphore, #tpu.memory_space<semaphore_mem>>) attributes {dimension_semantics = [#tpu.dimension_semantics<core_parallel>, #tpu.dimension_semantics<subcore_parallel>], iteration_bounds = array<i64: 2, 16>, scalar_prefetch = 0 : i64, scratch_operands = 6 : i64, tpu.core_type = #tpu.core_type<sc_vector_subcore>, window_params = [{transform_indices = #map}, {transform_indices = #map1}, {transform_indices = #map}]} {
    %mul3A = arith.constant 2 : i32
    %mul3A_0 = arith.muli %arg1, %mul3A : i32
    %add3A = arith.addi %mul3A_0, %arg0 : i32
    %mul3A_1 = arith.constant 128 : i32
    %mul3A_2 = arith.muli %add3A, %mul3A_1 : i32
    %mul3A_3 = arith.constant 2 : i32
    %mul3A_4 = arith.muli %add3A, %mul3A_3 : i32
    %run_scoped3A = arith.constant 0 : i32
    "tpu.region"() ({
      %run_scoped3A_80 = tpu.sem_alloc : memref<!tpu.dma_semaphore, #tpu.memory_space<semaphore_mem>>
      %dma_start3A_81 = arith.constant 0 : i32
      %dma_start3A_82 = arith.constant 0 : i32
      %dma_start3A_83 = tpu.memref_slice %arg5[%dma_start3A_81, %dma_start3A_82] : memref<4x64xi32, #tpu.memory_space<vmem>> -> memref<2x64xi32, #tpu.memory_space<vmem>>
      %dma_start3A_84 = arith.constant 0 : i32
      %dma_start3A_85 = tpu.memref_slice %arg3[%run_scoped3A, %mul3A_4, %dma_start3A_84] : memref<2x64x64xi32, #tpu.memory_space<hbm>> -> memref<1x2x64xi32, #tpu.memory_space<hbm>>
      %dma_start3A_86 = tpu.memref_squeeze %dma_start3A_85 : memref<1x2x64xi32, #tpu.memory_space<hbm>> -> memref<2x64xi32, #tpu.memory_space<hbm>>
      %dma_start3A_87 = arith.constant 0 : i32
      %dma_start3A_88 = arith.constant 0 : i32
      %dma_start3A_89 = tpu.memref_slice %arg5[%dma_start3A_87, %dma_start3A_88] : memref<4x64xi32, #tpu.memory_space<vmem>> -> memref<2x64xi32, #tpu.memory_space<vmem>>
      %dma_start3A_90 = arith.constant 0 : i32
      %dma_start3A_91 = tpu.memref_slice %arg3[%run_scoped3A, %mul3A_4, %dma_start3A_90] : memref<2x64x64xi32, #tpu.memory_space<hbm>> -> memref<1x2x64xi32, #tpu.memory_space<hbm>>
      %dma_start3A_92 = tpu.memref_squeeze %dma_start3A_91 : memref<1x2x64xi32, #tpu.memory_space<hbm>> -> memref<2x64xi32, #tpu.memory_space<hbm>>
      tpu.enqueue_dma source(%dma_start3A_92 : memref<2x64xi32, #tpu.memory_space<hbm>>) target(%dma_start3A_89 : memref<2x64xi32, #tpu.memory_space<vmem>>) target_semaphore(%run_scoped3A_80 : memref<!tpu.dma_semaphore, #tpu.memory_space<semaphore_mem>>)
      %dma_wait3A_93 = arith.constant 0 : i32
      %dma_wait3A_94 = arith.constant 0 : i32
      %dma_wait3A_95 = tpu.memref_slice %arg5[%dma_wait3A_93, %dma_wait3A_94] : memref<4x64xi32, #tpu.memory_space<vmem>> -> memref<2x64xi32, #tpu.memory_space<vmem>>
      %dma_wait3A_96 = arith.constant 0 : i32
      %dma_wait3A_97 = tpu.memref_slice %arg3[%run_scoped3A, %mul3A_4, %dma_wait3A_96] : memref<2x64x64xi32, #tpu.memory_space<hbm>> -> memref<1x2x64xi32, #tpu.memory_space<hbm>>
      %dma_wait3A_98 = tpu.memref_squeeze %dma_wait3A_97 : memref<1x2x64xi32, #tpu.memory_space<hbm>> -> memref<2x64xi32, #tpu.memory_space<hbm>>
      %dma_wait3A_99 = arith.constant 0 : i32
      %dma_wait3A_100 = arith.constant 0 : i32
      %dma_wait3A_101 = tpu.memref_slice %arg5[%dma_wait3A_99, %dma_wait3A_100] : memref<4x64xi32, #tpu.memory_space<vmem>> -> memref<2x64xi32, #tpu.memory_space<vmem>>
      %dma_wait3A_102 = arith.constant 0 : i32
      %dma_wait3A_103 = tpu.memref_slice %arg3[%run_scoped3A, %mul3A_4, %dma_wait3A_102] : memref<2x64x64xi32, #tpu.memory_space<hbm>> -> memref<1x2x64xi32, #tpu.memory_space<hbm>>
      %dma_wait3A_104 = tpu.memref_squeeze %dma_wait3A_103 : memref<1x2x64xi32, #tpu.memory_space<hbm>> -> memref<2x64xi32, #tpu.memory_space<hbm>>
      tpu.wait_dma2 semaphore(%run_scoped3A_80 : memref<!tpu.dma_semaphore, #tpu.memory_space<semaphore_mem>>) src(%dma_wait3A_104 : memref<2x64xi32, #tpu.memory_space<hbm>>) dst(%dma_wait3A_101 : memref<2x64xi32, #tpu.memory_space<vmem>>)
      tpu.yield
    }) : () -> ()
    %run_scoped3A_5 = arith.constant 1 : i32
    "tpu.region"() ({
      %run_scoped3A_80 = tpu.sem_alloc : memref<!tpu.dma_semaphore, #tpu.memory_space<semaphore_mem>>
      %dma_start3A_81 = arith.constant 2 : i32
      %dma_start3A_82 = arith.constant 0 : i32
      %dma_start3A_83 = tpu.memref_slice %arg5[%dma_start3A_81, %dma_start3A_82] : memref<4x64xi32, #tpu.memory_space<vmem>> -> memref<2x64xi32, #tpu.memory_space<vmem>>
      %dma_start3A_84 = arith.constant 0 : i32
      %dma_start3A_85 = tpu.memref_slice %arg3[%run_scoped3A_5, %mul3A_4, %dma_start3A_84] : memref<2x64x64xi32, #tpu.memory_space<hbm>> -> memref<1x2x64xi32, #tpu.memory_space<hbm>>
      %dma_start3A_86 = tpu.memref_squeeze %dma_start3A_85 : memref<1x2x64xi32, #tpu.memory_space<hbm>> -> memref<2x64xi32, #tpu.memory_space<hbm>>
      %dma_start3A_87 = arith.constant 2 : i32
      %dma_start3A_88 = arith.constant 0 : i32
      %dma_start3A_89 = tpu.memref_slice %arg5[%dma_start3A_87, %dma_start3A_88] : memref<4x64xi32, #tpu.memory_space<vmem>> -> memref<2x64xi32, #tpu.memory_space<vmem>>
      %dma_start3A_90 = arith.constant 0 : i32
      %dma_start3A_91 = tpu.memref_slice %arg3[%run_scoped3A_5, %mul3A_4, %dma_start3A_90] : memref<2x64x64xi32, #tpu.memory_space<hbm>> -> memref<1x2x64xi32, #tpu.memory_space<hbm>>
      %dma_start3A_92 = tpu.memref_squeeze %dma_start3A_91 : memref<1x2x64xi32, #tpu.memory_space<hbm>> -> memref<2x64xi32, #tpu.memory_space<hbm>>
      tpu.enqueue_dma source(%dma_start3A_92 : memref<2x64xi32, #tpu.memory_space<hbm>>) target(%dma_start3A_89 : memref<2x64xi32, #tpu.memory_space<vmem>>) target_semaphore(%run_scoped3A_80 : memref<!tpu.dma_semaphore, #tpu.memory_space<semaphore_mem>>)
      %dma_wait3A_93 = arith.constant 2 : i32
      %dma_wait3A_94 = arith.constant 0 : i32
      %dma_wait3A_95 = tpu.memref_slice %arg5[%dma_wait3A_93, %dma_wait3A_94] : memref<4x64xi32, #tpu.memory_space<vmem>> -> memref<2x64xi32, #tpu.memory_space<vmem>>
      %dma_wait3A_96 = arith.constant 0 : i32
      %dma_wait3A_97 = tpu.memref_slice %arg3[%run_scoped3A_5, %mul3A_4, %dma_wait3A_96] : memref<2x64x64xi32, #tpu.memory_space<hbm>> -> memref<1x2x64xi32, #tpu.memory_space<hbm>>
      %dma_wait3A_98 = tpu.memref_squeeze %dma_wait3A_97 : memref<1x2x64xi32, #tpu.memory_space<hbm>> -> memref<2x64xi32, #tpu.memory_space<hbm>>
      %dma_wait3A_99 = arith.constant 2 : i32
      %dma_wait3A_100 = arith.constant 0 : i32
      %dma_wait3A_101 = tpu.memref_slice %arg5[%dma_wait3A_99, %dma_wait3A_100] : memref<4x64xi32, #tpu.memory_space<vmem>> -> memref<2x64xi32, #tpu.memory_space<vmem>>
      %dma_wait3A_102 = arith.constant 0 : i32
      %dma_wait3A_103 = tpu.memref_slice %arg3[%run_scoped3A_5, %mul3A_4, %dma_wait3A_102] : memref<2x64x64xi32, #tpu.memory_space<hbm>> -> memref<1x2x64xi32, #tpu.memory_space<hbm>>
      %dma_wait3A_104 = tpu.memref_squeeze %dma_wait3A_103 : memref<1x2x64xi32, #tpu.memory_space<hbm>> -> memref<2x64xi32, #tpu.memory_space<hbm>>
      tpu.wait_dma2 semaphore(%run_scoped3A_80 : memref<!tpu.dma_semaphore, #tpu.memory_space<semaphore_mem>>) src(%dma_wait3A_104 : memref<2x64xi32, #tpu.memory_space<hbm>>) dst(%dma_wait3A_101 : memref<2x64xi32, #tpu.memory_space<vmem>>)
      tpu.yield
    }) : () -> ()
    %add3A_6 = arith.constant 0 : i32
    %add3A_7 = arith.addi %mul3A_2, %add3A_6 : i32
    %dma_start3A = arith.constant 0 : i32
    %dma_start3A_8 = tpu.memref_slice %arg2[%add3A_7, %dma_start3A] : memref<4096x768xf32, #tpu.memory_space<hbm>> -> memref<64x768xf32, #tpu.memory_space<hbm>>
    %dma_start3A_9 = arith.constant 0 : i32
    %dma_start3A_10 = tpu.memref_slice %arg2[%add3A_7, %dma_start3A_9] : memref<4096x768xf32, #tpu.memory_space<hbm>> -> memref<64x768xf32, #tpu.memory_space<hbm>>
    tpu.enqueue_dma source(%dma_start3A_10 : memref<64x768xf32, #tpu.memory_space<hbm>>) target(%arg6 : memref<64x768xf32, #tpu.memory_space<vmem>>) target_semaphore(%arg8 : memref<!tpu.dma_semaphore, #tpu.memory_space<semaphore_mem>>)
    %add3A_11 = arith.constant 64 : i32
    %add3A_12 = arith.addi %mul3A_2, %add3A_11 : i32
    %dma_start3A_13 = arith.constant 0 : i32
    %dma_start3A_14 = tpu.memref_slice %arg2[%add3A_12, %dma_start3A_13] : memref<4096x768xf32, #tpu.memory_space<hbm>> -> memref<64x768xf32, #tpu.memory_space<hbm>>
    %dma_start3A_15 = arith.constant 0 : i32
    %dma_start3A_16 = tpu.memref_slice %arg2[%add3A_12, %dma_start3A_15] : memref<4096x768xf32, #tpu.memory_space<hbm>> -> memref<64x768xf32, #tpu.memory_space<hbm>>
    tpu.enqueue_dma source(%dma_start3A_16 : memref<64x768xf32, #tpu.memory_space<hbm>>) target(%arg7 : memref<64x768xf32, #tpu.memory_space<vmem>>) target_semaphore(%arg9 : memref<!tpu.dma_semaphore, #tpu.memory_space<semaphore_mem>>)
    %dma_wait3A = arith.constant 0 : i32
    %dma_wait3A_17 = tpu.memref_slice %arg2[%add3A_7, %dma_wait3A] : memref<4096x768xf32, #tpu.memory_space<hbm>> -> memref<64x768xf32, #tpu.memory_space<hbm>>
    %dma_wait3A_18 = arith.constant 0 : i32
    %dma_wait3A_19 = tpu.memref_slice %arg2[%add3A_7, %dma_wait3A_18] : memref<4096x768xf32, #tpu.memory_space<hbm>> -> memref<64x768xf32, #tpu.memory_space<hbm>>
    tpu.wait_dma2 semaphore(%arg8 : memref<!tpu.dma_semaphore, #tpu.memory_space<semaphore_mem>>) src(%dma_wait3A_19 : memref<64x768xf32, #tpu.memory_space<hbm>>) dst(%arg6 : memref<64x768xf32, #tpu.memory_space<vmem>>)
    %dma_start3A_20 = arith.constant 0 : i32
    %dma_start3A_21 = arith.constant 0 : i32
    %dma_start3A_22 = tpu.memref_slice %arg5[%dma_start3A_20, %dma_start3A_21] : memref<4x64xi32, #tpu.memory_space<vmem>> -> memref<1x64xi32, #tpu.memory_space<vmem>>
    %dma_start3A_23 = tpu.memref_squeeze %dma_start3A_22 : memref<1x64xi32, #tpu.memory_space<vmem>> -> memref<64xi32, #tpu.memory_space<vmem>>
    %dma_start3A_24 = arith.constant 0 : i32
    %dma_start3A_25 = arith.constant 0 : i32
    %dma_start3A_26 = tpu.memref_slice %arg4[%dma_start3A_24, %dma_start3A_25] : memref<16384x768xf32, #tpu.memory_space<hbm>> -> memref<16384x768xf32, #tpu.memory_space<hbm>>
    tpu.enqueue_indirect_dma source(%arg6 : memref<64x768xf32, #tpu.memory_space<vmem>>) target(%dma_start3A_26 : memref<16384x768xf32, #tpu.memory_space<hbm>>) offsets(%dma_start3A_23 : memref<64xi32, #tpu.memory_space<vmem>>) semaphore(%arg10 : memref<!tpu.dma_semaphore, #tpu.memory_space<semaphore_mem>>)
    %dma_start3A_27 = arith.constant 2 : i32
    %dma_start3A_28 = arith.constant 0 : i32
    %dma_start3A_29 = tpu.memref_slice %arg5[%dma_start3A_27, %dma_start3A_28] : memref<4x64xi32, #tpu.memory_space<vmem>> -> memref<1x64xi32, #tpu.memory_space<vmem>>
    %dma_start3A_30 = tpu.memref_squeeze %dma_start3A_29 : memref<1x64xi32, #tpu.memory_space<vmem>> -> memref<64xi32, #tpu.memory_space<vmem>>
    %dma_start3A_31 = arith.constant 0 : i32
    %dma_start3A_32 = arith.constant 0 : i32
    %dma_start3A_33 = tpu.memref_slice %arg4[%dma_start3A_31, %dma_start3A_32] : memref<16384x768xf32, #tpu.memory_space<hbm>> -> memref<16384x768xf32, #tpu.memory_space<hbm>>
    tpu.enqueue_indirect_dma source(%arg6 : memref<64x768xf32, #tpu.memory_space<vmem>>) target(%dma_start3A_33 : memref<16384x768xf32, #tpu.memory_space<hbm>>) offsets(%dma_start3A_30 : memref<64xi32, #tpu.memory_space<vmem>>) semaphore(%arg10 : memref<!tpu.dma_semaphore, #tpu.memory_space<semaphore_mem>>)
    %dma_wait3A_34 = arith.constant 0 : i32
    %dma_wait3A_35 = tpu.memref_slice %arg2[%add3A_12, %dma_wait3A_34] : memref<4096x768xf32, #tpu.memory_space<hbm>> -> memref<64x768xf32, #tpu.memory_space<hbm>>
    %dma_wait3A_36 = arith.constant 0 : i32
    %dma_wait3A_37 = tpu.memref_slice %arg2[%add3A_12, %dma_wait3A_36] : memref<4096x768xf32, #tpu.memory_space<hbm>> -> memref<64x768xf32, #tpu.memory_space<hbm>>
    tpu.wait_dma2 semaphore(%arg9 : memref<!tpu.dma_semaphore, #tpu.memory_space<semaphore_mem>>) src(%dma_wait3A_37 : memref<64x768xf32, #tpu.memory_space<hbm>>) dst(%arg7 : memref<64x768xf32, #tpu.memory_space<vmem>>)
    %dma_start3A_38 = arith.constant 1 : i32
    %dma_start3A_39 = arith.constant 0 : i32
    %dma_start3A_40 = tpu.memref_slice %arg5[%dma_start3A_38, %dma_start3A_39] : memref<4x64xi32, #tpu.memory_space<vmem>> -> memref<1x64xi32, #tpu.memory_space<vmem>>
    %dma_start3A_41 = tpu.memref_squeeze %dma_start3A_40 : memref<1x64xi32, #tpu.memory_space<vmem>> -> memref<64xi32, #tpu.memory_space<vmem>>
    %dma_start3A_42 = arith.constant 0 : i32
    %dma_start3A_43 = arith.constant 0 : i32
    %dma_start3A_44 = tpu.memref_slice %arg4[%dma_start3A_42, %dma_start3A_43] : memref<16384x768xf32, #tpu.memory_space<hbm>> -> memref<16384x768xf32, #tpu.memory_space<hbm>>
    tpu.enqueue_indirect_dma source(%arg7 : memref<64x768xf32, #tpu.memory_space<vmem>>) target(%dma_start3A_44 : memref<16384x768xf32, #tpu.memory_space<hbm>>) offsets(%dma_start3A_41 : memref<64xi32, #tpu.memory_space<vmem>>) semaphore(%arg10 : memref<!tpu.dma_semaphore, #tpu.memory_space<semaphore_mem>>)
    %dma_start3A_45 = arith.constant 3 : i32
    %dma_start3A_46 = arith.constant 0 : i32
    %dma_start3A_47 = tpu.memref_slice %arg5[%dma_start3A_45, %dma_start3A_46] : memref<4x64xi32, #tpu.memory_space<vmem>> -> memref<1x64xi32, #tpu.memory_space<vmem>>
    %dma_start3A_48 = tpu.memref_squeeze %dma_start3A_47 : memref<1x64xi32, #tpu.memory_space<vmem>> -> memref<64xi32, #tpu.memory_space<vmem>>
    %dma_start3A_49 = arith.constant 0 : i32
    %dma_start3A_50 = arith.constant 0 : i32
    %dma_start3A_51 = tpu.memref_slice %arg4[%dma_start3A_49, %dma_start3A_50] : memref<16384x768xf32, #tpu.memory_space<hbm>> -> memref<16384x768xf32, #tpu.memory_space<hbm>>
    tpu.enqueue_indirect_dma source(%arg7 : memref<64x768xf32, #tpu.memory_space<vmem>>) target(%dma_start3A_51 : memref<16384x768xf32, #tpu.memory_space<hbm>>) offsets(%dma_start3A_48 : memref<64xi32, #tpu.memory_space<vmem>>) semaphore(%arg10 : memref<!tpu.dma_semaphore, #tpu.memory_space<semaphore_mem>>)
    %dma_wait3A_52 = arith.constant 0 : i32
    %dma_wait3A_53 = arith.constant 0 : i32
    %dma_wait3A_54 = tpu.memref_slice %arg5[%dma_wait3A_52, %dma_wait3A_53] : memref<4x64xi32, #tpu.memory_space<vmem>> -> memref<1x64xi32, #tpu.memory_space<vmem>>
    %dma_wait3A_55 = tpu.memref_squeeze %dma_wait3A_54 : memref<1x64xi32, #tpu.memory_space<vmem>> -> memref<64xi32, #tpu.memory_space<vmem>>
    %dma_wait3A_56 = arith.constant 0 : i32
    %dma_wait3A_57 = arith.constant 0 : i32
    %dma_wait3A_58 = tpu.memref_slice %arg4[%dma_wait3A_56, %dma_wait3A_57] : memref<16384x768xf32, #tpu.memory_space<hbm>> -> memref<16384x768xf32, #tpu.memory_space<hbm>>
    tpu.wait_indirect_dma semaphore(%arg10 : memref<!tpu.dma_semaphore, #tpu.memory_space<semaphore_mem>>) src(%arg6 : memref<64x768xf32, #tpu.memory_space<vmem>>) dst(%dma_wait3A_58 : memref<16384x768xf32, #tpu.memory_space<hbm>>)
    %dma_wait3A_59 = arith.constant 2 : i32
    %dma_wait3A_60 = arith.constant 0 : i32
    %dma_wait3A_61 = tpu.memref_slice %arg5[%dma_wait3A_59, %dma_wait3A_60] : memref<4x64xi32, #tpu.memory_space<vmem>> -> memref<1x64xi32, #tpu.memory_space<vmem>>
    %dma_wait3A_62 = tpu.memref_squeeze %dma_wait3A_61 : memref<1x64xi32, #tpu.memory_space<vmem>> -> memref<64xi32, #tpu.memory_space<vmem>>
    %dma_wait3A_63 = arith.constant 0 : i32
    %dma_wait3A_64 = arith.constant 0 : i32
    %dma_wait3A_65 = tpu.memref_slice %arg4[%dma_wait3A_63, %dma_wait3A_64] : memref<16384x768xf32, #tpu.memory_space<hbm>> -> memref<16384x768xf32, #tpu.memory_space<hbm>>
    tpu.wait_indirect_dma semaphore(%arg10 : memref<!tpu.dma_semaphore, #tpu.memory_space<semaphore_mem>>) src(%arg6 : memref<64x768xf32, #tpu.memory_space<vmem>>) dst(%dma_wait3A_65 : memref<16384x768xf32, #tpu.memory_space<hbm>>)
    %dma_wait3A_66 = arith.constant 1 : i32
    %dma_wait3A_67 = arith.constant 0 : i32
    %dma_wait3A_68 = tpu.memref_slice %arg5[%dma_wait3A_66, %dma_wait3A_67] : memref<4x64xi32, #tpu.memory_space<vmem>> -> memref<1x64xi32, #tpu.memory_space<vmem>>
    %dma_wait3A_69 = tpu.memref_squeeze %dma_wait3A_68 : memref<1x64xi32, #tpu.memory_space<vmem>> -> memref<64xi32, #tpu.memory_space<vmem>>
    %dma_wait3A_70 = arith.constant 0 : i32
    %dma_wait3A_71 = arith.constant 0 : i32
    %dma_wait3A_72 = tpu.memref_slice %arg4[%dma_wait3A_70, %dma_wait3A_71] : memref<16384x768xf32, #tpu.memory_space<hbm>> -> memref<16384x768xf32, #tpu.memory_space<hbm>>
    tpu.wait_indirect_dma semaphore(%arg10 : memref<!tpu.dma_semaphore, #tpu.memory_space<semaphore_mem>>) src(%arg7 : memref<64x768xf32, #tpu.memory_space<vmem>>) dst(%dma_wait3A_72 : memref<16384x768xf32, #tpu.memory_space<hbm>>)
    %dma_wait3A_73 = arith.constant 3 : i32
    %dma_wait3A_74 = arith.constant 0 : i32
    %dma_wait3A_75 = tpu.memref_slice %arg5[%dma_wait3A_73, %dma_wait3A_74] : memref<4x64xi32, #tpu.memory_space<vmem>> -> memref<1x64xi32, #tpu.memory_space<vmem>>
    %dma_wait3A_76 = tpu.memref_squeeze %dma_wait3A_75 : memref<1x64xi32, #tpu.memory_space<vmem>> -> memref<64xi32, #tpu.memory_space<vmem>>
    %dma_wait3A_77 = arith.constant 0 : i32
    %dma_wait3A_78 = arith.constant 0 : i32
    %dma_wait3A_79 = tpu.memref_slice %arg4[%dma_wait3A_77, %dma_wait3A_78] : memref<16384x768xf32, #tpu.memory_space<hbm>> -> memref<16384x768xf32, #tpu.memory_space<hbm>>
    tpu.wait_indirect_dma semaphore(%arg10 : memref<!tpu.dma_semaphore, #tpu.memory_space<semaphore_mem>>) src(%arg7 : memref<64x768xf32, #tpu.memory_space<vmem>>) dst(%dma_wait3A_79 : memref<16384x768xf32, #tpu.memory_space<hbm>>)
    return
  }
}

#map = affine_map<(d0, d1) -> (0, 0)>
#map1 = affine_map<(d0, d1) -> (0)>
module attributes {stable_mosaic.version = 14 : i64} {
  func.func @k(%arg0: i32, %arg1: i32, %arg2: memref<16384x768xf32, #tpu.memory_space<hbm>>, %arg3: memref<8192xi32, #tpu.memory_space<hbm>>, %arg4: memref<8192x768xf32, #tpu.memory_space<hbm>>, %arg5: memref<256xi32, #tpu.memory_space<vmem>>, %arg6: memref<64x768xf32, #tpu.memory_space<vmem>>, %arg7: memref<64x768xf32, #tpu.memory_space<vmem>>, %arg8: memref<!tpu.dma_semaphore, #tpu.memory_space<semaphore_mem>>, %arg9: memref<!tpu.dma_semaphore, #tpu.memory_space<semaphore_mem>>, %arg10: memref<!tpu.dma_semaphore, #tpu.memory_space<semaphore_mem>>) attributes {dimension_semantics = [#tpu.dimension_semantics<core_parallel>, #tpu.dimension_semantics<subcore_parallel>], iteration_bounds = array<i64: 2, 16>, scalar_prefetch = 0 : i64, scratch_operands = 6 : i64, tpu.core_type = #tpu.core_type<sc_vector_subcore>, window_params = [{transform_indices = #map}, {transform_indices = #map1}, {transform_indices = #map}]} {
    %mul3A = arith.constant 2 : i32
    %mul3A_0 = arith.muli %arg1, %mul3A : i32
    %add3A = arith.addi %mul3A_0, %arg0 : i32
    %mul3A_1 = arith.constant 256 : i32
    %mul3A_2 = arith.muli %add3A, %mul3A_1 : i32
    "tpu.region"() ({
      %run_scoped3A = tpu.sem_alloc : memref<!tpu.dma_semaphore, #tpu.memory_space<semaphore_mem>>
      %dma_start3A_81 = tpu.memref_slice %arg3[%mul3A_2] : memref<8192xi32, #tpu.memory_space<hbm>> -> memref<256xi32, #tpu.memory_space<hbm>>
      %dma_start3A_82 = tpu.memref_slice %arg3[%mul3A_2] : memref<8192xi32, #tpu.memory_space<hbm>> -> memref<256xi32, #tpu.memory_space<hbm>>
      tpu.enqueue_dma source(%dma_start3A_82 : memref<256xi32, #tpu.memory_space<hbm>>) target(%arg5 : memref<256xi32, #tpu.memory_space<vmem>>) target_semaphore(%run_scoped3A : memref<!tpu.dma_semaphore, #tpu.memory_space<semaphore_mem>>)
      %dma_wait3A_83 = tpu.memref_slice %arg3[%mul3A_2] : memref<8192xi32, #tpu.memory_space<hbm>> -> memref<256xi32, #tpu.memory_space<hbm>>
      %dma_wait3A_84 = tpu.memref_slice %arg3[%mul3A_2] : memref<8192xi32, #tpu.memory_space<hbm>> -> memref<256xi32, #tpu.memory_space<hbm>>
      tpu.wait_dma2 semaphore(%run_scoped3A : memref<!tpu.dma_semaphore, #tpu.memory_space<semaphore_mem>>) src(%dma_wait3A_84 : memref<256xi32, #tpu.memory_space<hbm>>) dst(%arg5 : memref<256xi32, #tpu.memory_space<vmem>>)
      tpu.yield
    }) : () -> ()
    %dma_start3A = arith.constant 0 : i32
    %dma_start3A_3 = tpu.memref_slice %arg5[%dma_start3A] : memref<256xi32, #tpu.memory_space<vmem>> -> memref<64xi32, #tpu.memory_space<vmem>>
    %dma_start3A_4 = arith.constant 0 : i32
    %dma_start3A_5 = arith.constant 0 : i32
    %dma_start3A_6 = tpu.memref_slice %arg2[%dma_start3A_4, %dma_start3A_5] : memref<16384x768xf32, #tpu.memory_space<hbm>> -> memref<16384x768xf32, #tpu.memory_space<hbm>>
    tpu.enqueue_indirect_dma source(%dma_start3A_6 : memref<16384x768xf32, #tpu.memory_space<hbm>>) target(%arg6 : memref<64x768xf32, #tpu.memory_space<vmem>>) offsets(%dma_start3A_3 : memref<64xi32, #tpu.memory_space<vmem>>) semaphore(%arg8 : memref<!tpu.dma_semaphore, #tpu.memory_space<semaphore_mem>>)
    %dma_wait3A = arith.constant 0 : i32
    %dma_wait3A_7 = tpu.memref_slice %arg5[%dma_wait3A] : memref<256xi32, #tpu.memory_space<vmem>> -> memref<64xi32, #tpu.memory_space<vmem>>
    %dma_wait3A_8 = arith.constant 0 : i32
    %dma_wait3A_9 = arith.constant 0 : i32
    %dma_wait3A_10 = tpu.memref_slice %arg2[%dma_wait3A_8, %dma_wait3A_9] : memref<16384x768xf32, #tpu.memory_space<hbm>> -> memref<16384x768xf32, #tpu.memory_space<hbm>>
    tpu.wait_indirect_dma semaphore(%arg8 : memref<!tpu.dma_semaphore, #tpu.memory_space<semaphore_mem>>) src(%dma_wait3A_10 : memref<16384x768xf32, #tpu.memory_space<hbm>>) dst(%arg6 : memref<64x768xf32, #tpu.memory_space<vmem>>)
    %add3A_11 = arith.constant 0 : i32
    %add3A_12 = arith.addi %mul3A_2, %add3A_11 : i32
    %dma_start3A_13 = arith.constant 0 : i32
    %dma_start3A_14 = tpu.memref_slice %arg4[%add3A_12, %dma_start3A_13] : memref<8192x768xf32, #tpu.memory_space<hbm>> -> memref<64x768xf32, #tpu.memory_space<hbm>>
    %dma_start3A_15 = arith.constant 0 : i32
    %dma_start3A_16 = tpu.memref_slice %arg4[%add3A_12, %dma_start3A_15] : memref<8192x768xf32, #tpu.memory_space<hbm>> -> memref<64x768xf32, #tpu.memory_space<hbm>>
    tpu.enqueue_dma source(%arg6 : memref<64x768xf32, #tpu.memory_space<vmem>>) target(%dma_start3A_16 : memref<64x768xf32, #tpu.memory_space<hbm>>) target_semaphore(%arg10 : memref<!tpu.dma_semaphore, #tpu.memory_space<semaphore_mem>>)
    %dma_start3A_17 = arith.constant 64 : i32
    %dma_start3A_18 = tpu.memref_slice %arg5[%dma_start3A_17] : memref<256xi32, #tpu.memory_space<vmem>> -> memref<64xi32, #tpu.memory_space<vmem>>
    %dma_start3A_19 = arith.constant 0 : i32
    %dma_start3A_20 = arith.constant 0 : i32
    %dma_start3A_21 = tpu.memref_slice %arg2[%dma_start3A_19, %dma_start3A_20] : memref<16384x768xf32, #tpu.memory_space<hbm>> -> memref<16384x768xf32, #tpu.memory_space<hbm>>
    tpu.enqueue_indirect_dma source(%dma_start3A_21 : memref<16384x768xf32, #tpu.memory_space<hbm>>) target(%arg7 : memref<64x768xf32, #tpu.memory_space<vmem>>) offsets(%dma_start3A_18 : memref<64xi32, #tpu.memory_space<vmem>>) semaphore(%arg9 : memref<!tpu.dma_semaphore, #tpu.memory_space<semaphore_mem>>)
    %dma_wait3A_22 = arith.constant 64 : i32
    %dma_wait3A_23 = tpu.memref_slice %arg5[%dma_wait3A_22] : memref<256xi32, #tpu.memory_space<vmem>> -> memref<64xi32, #tpu.memory_space<vmem>>
    %dma_wait3A_24 = arith.constant 0 : i32
    %dma_wait3A_25 = arith.constant 0 : i32
    %dma_wait3A_26 = tpu.memref_slice %arg2[%dma_wait3A_24, %dma_wait3A_25] : memref<16384x768xf32, #tpu.memory_space<hbm>> -> memref<16384x768xf32, #tpu.memory_space<hbm>>
    tpu.wait_indirect_dma semaphore(%arg9 : memref<!tpu.dma_semaphore, #tpu.memory_space<semaphore_mem>>) src(%dma_wait3A_26 : memref<16384x768xf32, #tpu.memory_space<hbm>>) dst(%arg7 : memref<64x768xf32, #tpu.memory_space<vmem>>)
    %dma_wait3A_27 = arith.constant 0 : i32
    %dma_wait3A_28 = tpu.memref_slice %arg4[%add3A_12, %dma_wait3A_27] : memref<8192x768xf32, #tpu.memory_space<hbm>> -> memref<64x768xf32, #tpu.memory_space<hbm>>
    %dma_wait3A_29 = arith.constant 0 : i32
    %dma_wait3A_30 = tpu.memref_slice %arg4[%add3A_12, %dma_wait3A_29] : memref<8192x768xf32, #tpu.memory_space<hbm>> -> memref<64x768xf32, #tpu.memory_space<hbm>>
    tpu.wait_dma2 semaphore(%arg10 : memref<!tpu.dma_semaphore, #tpu.memory_space<semaphore_mem>>) src(%arg6 : memref<64x768xf32, #tpu.memory_space<vmem>>) dst(%dma_wait3A_30 : memref<64x768xf32, #tpu.memory_space<hbm>>)
    %add3A_31 = arith.constant 64 : i32
    %add3A_32 = arith.addi %mul3A_2, %add3A_31 : i32
    %dma_start3A_33 = arith.constant 0 : i32
    %dma_start3A_34 = tpu.memref_slice %arg4[%add3A_32, %dma_start3A_33] : memref<8192x768xf32, #tpu.memory_space<hbm>> -> memref<64x768xf32, #tpu.memory_space<hbm>>
    %dma_start3A_35 = arith.constant 0 : i32
    %dma_start3A_36 = tpu.memref_slice %arg4[%add3A_32, %dma_start3A_35] : memref<8192x768xf32, #tpu.memory_space<hbm>> -> memref<64x768xf32, #tpu.memory_space<hbm>>
    tpu.enqueue_dma source(%arg7 : memref<64x768xf32, #tpu.memory_space<vmem>>) target(%dma_start3A_36 : memref<64x768xf32, #tpu.memory_space<hbm>>) target_semaphore(%arg10 : memref<!tpu.dma_semaphore, #tpu.memory_space<semaphore_mem>>)
    %dma_start3A_37 = arith.constant 128 : i32
    %dma_start3A_38 = tpu.memref_slice %arg5[%dma_start3A_37] : memref<256xi32, #tpu.memory_space<vmem>> -> memref<64xi32, #tpu.memory_space<vmem>>
    %dma_start3A_39 = arith.constant 0 : i32
    %dma_start3A_40 = arith.constant 0 : i32
    %dma_start3A_41 = tpu.memref_slice %arg2[%dma_start3A_39, %dma_start3A_40] : memref<16384x768xf32, #tpu.memory_space<hbm>> -> memref<16384x768xf32, #tpu.memory_space<hbm>>
    tpu.enqueue_indirect_dma source(%dma_start3A_41 : memref<16384x768xf32, #tpu.memory_space<hbm>>) target(%arg6 : memref<64x768xf32, #tpu.memory_space<vmem>>) offsets(%dma_start3A_38 : memref<64xi32, #tpu.memory_space<vmem>>) semaphore(%arg8 : memref<!tpu.dma_semaphore, #tpu.memory_space<semaphore_mem>>)
    %dma_wait3A_42 = arith.constant 128 : i32
    %dma_wait3A_43 = tpu.memref_slice %arg5[%dma_wait3A_42] : memref<256xi32, #tpu.memory_space<vmem>> -> memref<64xi32, #tpu.memory_space<vmem>>
    %dma_wait3A_44 = arith.constant 0 : i32
    %dma_wait3A_45 = arith.constant 0 : i32
    %dma_wait3A_46 = tpu.memref_slice %arg2[%dma_wait3A_44, %dma_wait3A_45] : memref<16384x768xf32, #tpu.memory_space<hbm>> -> memref<16384x768xf32, #tpu.memory_space<hbm>>
    tpu.wait_indirect_dma semaphore(%arg8 : memref<!tpu.dma_semaphore, #tpu.memory_space<semaphore_mem>>) src(%dma_wait3A_46 : memref<16384x768xf32, #tpu.memory_space<hbm>>) dst(%arg6 : memref<64x768xf32, #tpu.memory_space<vmem>>)
    %dma_wait3A_47 = arith.constant 0 : i32
    %dma_wait3A_48 = tpu.memref_slice %arg4[%add3A_32, %dma_wait3A_47] : memref<8192x768xf32, #tpu.memory_space<hbm>> -> memref<64x768xf32, #tpu.memory_space<hbm>>
    %dma_wait3A_49 = arith.constant 0 : i32
    %dma_wait3A_50 = tpu.memref_slice %arg4[%add3A_32, %dma_wait3A_49] : memref<8192x768xf32, #tpu.memory_space<hbm>> -> memref<64x768xf32, #tpu.memory_space<hbm>>
    tpu.wait_dma2 semaphore(%arg10 : memref<!tpu.dma_semaphore, #tpu.memory_space<semaphore_mem>>) src(%arg7 : memref<64x768xf32, #tpu.memory_space<vmem>>) dst(%dma_wait3A_50 : memref<64x768xf32, #tpu.memory_space<hbm>>)
    %add3A_51 = arith.constant 128 : i32
    %add3A_52 = arith.addi %mul3A_2, %add3A_51 : i32
    %dma_start3A_53 = arith.constant 0 : i32
    %dma_start3A_54 = tpu.memref_slice %arg4[%add3A_52, %dma_start3A_53] : memref<8192x768xf32, #tpu.memory_space<hbm>> -> memref<64x768xf32, #tpu.memory_space<hbm>>
    %dma_start3A_55 = arith.constant 0 : i32
    %dma_start3A_56 = tpu.memref_slice %arg4[%add3A_52, %dma_start3A_55] : memref<8192x768xf32, #tpu.memory_space<hbm>> -> memref<64x768xf32, #tpu.memory_space<hbm>>
    tpu.enqueue_dma source(%arg6 : memref<64x768xf32, #tpu.memory_space<vmem>>) target(%dma_start3A_56 : memref<64x768xf32, #tpu.memory_space<hbm>>) target_semaphore(%arg10 : memref<!tpu.dma_semaphore, #tpu.memory_space<semaphore_mem>>)
    %dma_start3A_57 = arith.constant 192 : i32
    %dma_start3A_58 = tpu.memref_slice %arg5[%dma_start3A_57] : memref<256xi32, #tpu.memory_space<vmem>> -> memref<64xi32, #tpu.memory_space<vmem>>
    %dma_start3A_59 = arith.constant 0 : i32
    %dma_start3A_60 = arith.constant 0 : i32
    %dma_start3A_61 = tpu.memref_slice %arg2[%dma_start3A_59, %dma_start3A_60] : memref<16384x768xf32, #tpu.memory_space<hbm>> -> memref<16384x768xf32, #tpu.memory_space<hbm>>
    tpu.enqueue_indirect_dma source(%dma_start3A_61 : memref<16384x768xf32, #tpu.memory_space<hbm>>) target(%arg7 : memref<64x768xf32, #tpu.memory_space<vmem>>) offsets(%dma_start3A_58 : memref<64xi32, #tpu.memory_space<vmem>>) semaphore(%arg9 : memref<!tpu.dma_semaphore, #tpu.memory_space<semaphore_mem>>)
    %dma_wait3A_62 = arith.constant 192 : i32
    %dma_wait3A_63 = tpu.memref_slice %arg5[%dma_wait3A_62] : memref<256xi32, #tpu.memory_space<vmem>> -> memref<64xi32, #tpu.memory_space<vmem>>
    %dma_wait3A_64 = arith.constant 0 : i32
    %dma_wait3A_65 = arith.constant 0 : i32
    %dma_wait3A_66 = tpu.memref_slice %arg2[%dma_wait3A_64, %dma_wait3A_65] : memref<16384x768xf32, #tpu.memory_space<hbm>> -> memref<16384x768xf32, #tpu.memory_space<hbm>>
    tpu.wait_indirect_dma semaphore(%arg9 : memref<!tpu.dma_semaphore, #tpu.memory_space<semaphore_mem>>) src(%dma_wait3A_66 : memref<16384x768xf32, #tpu.memory_space<hbm>>) dst(%arg7 : memref<64x768xf32, #tpu.memory_space<vmem>>)
    %dma_wait3A_67 = arith.constant 0 : i32
    %dma_wait3A_68 = tpu.memref_slice %arg4[%add3A_52, %dma_wait3A_67] : memref<8192x768xf32, #tpu.memory_space<hbm>> -> memref<64x768xf32, #tpu.memory_space<hbm>>
    %dma_wait3A_69 = arith.constant 0 : i32
    %dma_wait3A_70 = tpu.memref_slice %arg4[%add3A_52, %dma_wait3A_69] : memref<8192x768xf32, #tpu.memory_space<hbm>> -> memref<64x768xf32, #tpu.memory_space<hbm>>
    tpu.wait_dma2 semaphore(%arg10 : memref<!tpu.dma_semaphore, #tpu.memory_space<semaphore_mem>>) src(%arg6 : memref<64x768xf32, #tpu.memory_space<vmem>>) dst(%dma_wait3A_70 : memref<64x768xf32, #tpu.memory_space<hbm>>)
    %add3A_71 = arith.constant 192 : i32
    %add3A_72 = arith.addi %mul3A_2, %add3A_71 : i32
    %dma_start3A_73 = arith.constant 0 : i32
    %dma_start3A_74 = tpu.memref_slice %arg4[%add3A_72, %dma_start3A_73] : memref<8192x768xf32, #tpu.memory_space<hbm>> -> memref<64x768xf32, #tpu.memory_space<hbm>>
    %dma_start3A_75 = arith.constant 0 : i32
    %dma_start3A_76 = tpu.memref_slice %arg4[%add3A_72, %dma_start3A_75] : memref<8192x768xf32, #tpu.memory_space<hbm>> -> memref<64x768xf32, #tpu.memory_space<hbm>>
    tpu.enqueue_dma source(%arg7 : memref<64x768xf32, #tpu.memory_space<vmem>>) target(%dma_start3A_76 : memref<64x768xf32, #tpu.memory_space<hbm>>) target_semaphore(%arg10 : memref<!tpu.dma_semaphore, #tpu.memory_space<semaphore_mem>>)
    %dma_wait3A_77 = arith.constant 0 : i32
    %dma_wait3A_78 = tpu.memref_slice %arg4[%add3A_72, %dma_wait3A_77] : memref<8192x768xf32, #tpu.memory_space<hbm>> -> memref<64x768xf32, #tpu.memory_space<hbm>>
    %dma_wait3A_79 = arith.constant 0 : i32
    %dma_wait3A_80 = tpu.memref_slice %arg4[%add3A_72, %dma_wait3A_79] : memref<8192x768xf32, #tpu.memory_space<hbm>> -> memref<64x768xf32, #tpu.memory_space<hbm>>
    tpu.wait_dma2 semaphore(%arg10 : memref<!tpu.dma_semaphore, #tpu.memory_space<semaphore_mem>>) src(%arg7 : memref<64x768xf32, #tpu.memory_space<vmem>>) dst(%dma_wait3A_80 : memref<64x768xf32, #tpu.memory_space<hbm>>)
    return
  }
}

module attributes {stable_mosaic.version = 14 : i64} {
  func.func @_gmm_body(%arg0: i32, %arg1: memref<128xi32, #tpu.memory_space<smem>>, %arg2: memref<1xi32, #tpu.memory_space<smem>>, %arg3: memref<128x768xf32, #tpu.memory_space<vmem>>, %arg4: memref<1x512x768xf32, #tpu.memory_space<vmem>>, %arg5: memref<1x768x512xf32, #tpu.memory_space<vmem>>, %arg6: memref<1x512x768xf32, #tpu.memory_space<vmem>>, %arg7: memref<128x768xf32, #tpu.memory_space<vmem>>) attributes {dimension_semantics = [#tpu.dimension_semantics<arbitrary>], iteration_bounds = array<i64: 128>, scalar_prefetch = 2 : i64, scratch_operands = 0 : i64, tpu.core_type = #tpu.core_type<tc>, window_params = [{transform_indices = @transform_0, window_bounds = array<i64: 128, 768>}, {transform_indices = @transform_1, window_bounds = array<i64: 1, 512, 768>}, {transform_indices = @transform_2, window_bounds = array<i64: 1, 768, 512>}, {transform_indices = @transform_3, window_bounds = array<i64: 1, 512, 768>}, {transform_indices = @transform_4, window_bounds = array<i64: 128, 768>}]} {
    %get3A = arith.constant 0 : index
    %get3A_0 = memref.load %arg2[%get3A] : memref<1xi32, #tpu.memory_space<smem>>
    %lt3A = arith.cmpi slt, %arg0, %get3A_0 : i32
    %convert_element_type3A = arith.extui %lt3A : i1 to i32
    %cond3A = arith.constant 0 : i32
    %cond3A_1 = arith.cmpi ne, %convert_element_type3A, %cond3A : i32
    scf.if %cond3A_1 {
      %get3A_2 = arith.constant 0 : index
      %get3A_3 = arith.constant 0 : index
      %get3A_4 = vector.load %arg3[%get3A_2, %get3A_3] : memref<128x768xf32, #tpu.memory_space<vmem>>, vector<128x768xf32>
      %get3A_5 = arith.constant 0 : index
      %get3A_6 = arith.constant 0 : index
      %get3A_7 = arith.constant 0 : index
      %get3A_8 = vector.load %arg4[%get3A_5, %get3A_6, %get3A_7] : memref<1x512x768xf32, #tpu.memory_space<vmem>>, vector<1x512x768xf32>
      %get3A_9 = vector.shape_cast %get3A_8 : vector<1x512x768xf32> to vector<512x768xf32>
      %dot_general3A = arith.constant dense<0.000000e+00> : vector<128x512xf32>
      %dot_general3A_10 = tpu.matmul %get3A_4, %get3A_9, %dot_general3A {dimension_numbers = #tpu.dot_dimension_numbers<[1], [1], [0], [0], [0, 0, 1, 0], [], []>, transpose_lhs_hint = false} : vector<128x768xf32>, vector<512x768xf32>, vector<128x512xf32> -> vector<128x512xf32>
      %get3A_11 = arith.constant 0 : index
      %get3A_12 = arith.constant 0 : index
      %get3A_13 = arith.constant 0 : index
      %get3A_14 = vector.load %arg6[%get3A_11, %get3A_12, %get3A_13] : memref<1x512x768xf32, #tpu.memory_space<vmem>>, vector<1x512x768xf32>
      %get3A_15 = vector.shape_cast %get3A_14 : vector<1x512x768xf32> to vector<512x768xf32>
      %dot_general3A_16 = arith.constant dense<0.000000e+00> : vector<128x512xf32>
      %dot_general3A_17 = tpu.matmul %get3A_4, %get3A_15, %dot_general3A_16 {dimension_numbers = #tpu.dot_dimension_numbers<[1], [1], [0], [0], [0, 0, 1, 0], [], []>, transpose_lhs_hint = false} : vector<128x768xf32>, vector<512x768xf32>, vector<128x512xf32> -> vector<128x512xf32>
      %logistic3A = arith.negf %dot_general3A_10 : vector<128x512xf32>
      %logistic3A_18 = math.exp %logistic3A : vector<128x512xf32>
      %logistic3A_19 = arith.constant 1.000000e+00 : f32
      %logistic3A_20 = vector.broadcast %logistic3A_19 : f32 to vector<128x512xf32>
      %logistic3A_21 = arith.addf %logistic3A_20, %logistic3A_18 : vector<128x512xf32>
      %logistic3A_22 = arith.divf %logistic3A_20, %logistic3A_21 : vector<128x512xf32>
      %mul3A = arith.mulf %dot_general3A_10, %logistic3A_22 : vector<128x512xf32>
      %mul3A_23 = arith.mulf %mul3A, %dot_general3A_17 : vector<128x512xf32>
      %get3A_24 = arith.constant 0 : index
      %get3A_25 = arith.constant 0 : index
      %get3A_26 = arith.constant 0 : index
      %get3A_27 = vector.load %arg5[%get3A_24, %get3A_25, %get3A_26] : memref<1x768x512xf32, #tpu.memory_space<vmem>>, vector<1x768x512xf32>
      %get3A_28 = vector.shape_cast %get3A_27 : vector<1x768x512xf32> to vector<768x512xf32>
      %dot_general3A_29 = arith.constant dense<0.000000e+00> : vector<128x768xf32>
      %dot_general3A_30 = tpu.matmul %mul3A_23, %get3A_28, %dot_general3A_29 {dimension_numbers = #tpu.dot_dimension_numbers<[1], [1], [0], [0], [0, 0, 1, 0], [], []>, transpose_lhs_hint = false} : vector<128x512xf32>, vector<768x512xf32>, vector<128x768xf32> -> vector<128x768xf32>
      %swap3A = arith.constant 0 : index
      %swap3A_31 = arith.constant 0 : index
      %swap3A_32 = vector.load %arg7[%swap3A, %swap3A_31] : memref<128x768xf32, #tpu.memory_space<vmem>>, vector<128x768xf32>
      tpu.vector_store %arg7[%swap3A, %swap3A_31], %dot_general3A_30 {strides = array<i32>} : memref<128x768xf32, #tpu.memory_space<vmem>>, vector<128x768xf32>,
    } else {
    }
    return
  }
  func.func @transform_0(%arg0: i32, %arg1: memref<128xi32, #tpu.memory_space<smem>>, %arg2: memref<1xi32, #tpu.memory_space<smem>>) -> (i32, i32) {
    %get3A = arith.constant 0 : index
    %get3A_0 = memref.load %arg2[%get3A] : memref<1xi32, #tpu.memory_space<smem>>
    %sub3A = arith.constant 1 : i32
    %sub3A_1 = arith.subi %get3A_0, %sub3A : i32
    %min3A = arith.minsi %arg0, %sub3A_1 : i32
    %c0_i32 = arith.constant 0 : i32
    %c0_i32_2 = arith.constant 0 : i32
    return %min3A, %c0_i32 : i32, i32
  }
  func.func @transform_1(%arg0: i32, %arg1: memref<128xi32, #tpu.memory_space<smem>>, %arg2: memref<1xi32, #tpu.memory_space<smem>>) -> (i32, i32, i32) {
    %get3A = arith.index_cast %arg0 : i32 to index
    %get3A_0 = memref.load %arg1[%get3A] : memref<128xi32, #tpu.memory_space<smem>>
    %c0_i32 = arith.constant 0 : i32
    %c0_i32_1 = arith.constant 0 : i32
    %c0_i32_2 = arith.constant 0 : i32
    return %get3A_0, %c0_i32, %c0_i32_1 : i32, i32, i32
  }
  func.func @transform_2(%arg0: i32, %arg1: memref<128xi32, #tpu.memory_space<smem>>, %arg2: memref<1xi32, #tpu.memory_space<smem>>) -> (i32, i32, i32) {
    %get3A = arith.index_cast %arg0 : i32 to index
    %get3A_0 = memref.load %arg1[%get3A] : memref<128xi32, #tpu.memory_space<smem>>
    %c0_i32 = arith.constant 0 : i32
    %c0_i32_1 = arith.constant 0 : i32
    %c0_i32_2 = arith.constant 0 : i32
    return %get3A_0, %c0_i32, %c0_i32_1 : i32, i32, i32
  }
  func.func @transform_3(%arg0: i32, %arg1: memref<128xi32, #tpu.memory_space<smem>>, %arg2: memref<1xi32, #tpu.memory_space<smem>>) -> (i32, i32, i32) {
    %get3A = arith.index_cast %arg0 : i32 to index
    %get3A_0 = memref.load %arg1[%get3A] : memref<128xi32, #tpu.memory_space<smem>>
    %c0_i32 = arith.constant 0 : i32
    %c0_i32_1 = arith.constant 0 : i32
    %c0_i32_2 = arith.constant 0 : i32
    return %get3A_0, %c0_i32, %c0_i32_1 : i32, i32, i32
  }
  func.func @transform_4(%arg0: i32, %arg1: memref<128xi32, #tpu.memory_space<smem>>, %arg2: memref<1xi32, #tpu.memory_space<smem>>) -> (i32, i32) {
    %get3A = arith.constant 0 : index
    %get3A_0 = memref.load %arg2[%get3A] : memref<1xi32, #tpu.memory_space<smem>>
    %sub3A = arith.constant 1 : i32
    %sub3A_1 = arith.subi %get3A_0, %sub3A : i32
    %min3A = arith.minsi %arg0, %sub3A_1 : i32
    %c0_i32 = arith.constant 0 : i32
    %c0_i32_2 = arith.constant 0 : i32
    return %min3A, %c0_i32 : i32, i32
  }
}

module attributes {stable_mosaic.version = 14 : i64} {
  func.func @_gate_route_body(%arg0: memref<4096x768xf32, #tpu.memory_space<vmem>>, %arg1: memref<768x64xf32, #tpu.memory_space<vmem>>, %arg2: memref<4096x2xf32, #tpu.memory_space<vmem>>, %arg3: memref<2x4096xi32, #tpu.memory_space<vmem>>, %arg4: memref<1x128xi32, #tpu.memory_space<vmem>>, %arg5: memref<1x1xi32, #tpu.memory_space<vmem>>) attributes {dimension_semantics = [], scalar_prefetch = 0 : i64, scratch_operands = 0 : i64, tpu.core_type = #tpu.core_type<tc>} {
    %get3A = arith.constant 0 : index
    %get3A_0 = arith.constant 0 : index
    %get3A_1 = vector.load %arg0[%get3A, %get3A_0] : memref<4096x768xf32, #tpu.memory_space<vmem>>, vector<4096x768xf32>
    %get3A_2 = arith.constant 0 : index
    %get3A_3 = arith.constant 0 : index
    %get3A_4 = vector.load %arg1[%get3A_2, %get3A_3] : memref<768x64xf32, #tpu.memory_space<vmem>>, vector<768x64xf32>
    %dot_general3A = arith.constant dense<0.000000e+00> : vector<4096x64xf32>
    %dot_general3A_5 = tpu.matmul %get3A_1, %get3A_4, %dot_general3A {dimension_numbers = #tpu.dot_dimension_numbers<[1], [0], [0], [1], [0, 0, 1, 1], [], []>, transpose_lhs_hint = false} : vector<4096x768xf32>, vector<768x64xf32>, vector<4096x64xf32> -> vector<4096x64xf32>
    %iota3A = tpu.iota {dimensions = array<i32: 1>} : vector<4096x64xi32>
    %reduce_max3A = arith.constant dense<0xFF800000> : vector<4096xf32>
    %reduce_max3A_6 = vector.multi_reduction <maximumf>, %dot_general3A_5, %reduce_max3A [1] : vector<4096x64xf32> to vector<4096xf32>
    %broadcast_in_dim3A = vector.shape_cast %reduce_max3A_6 : vector<4096xf32> to vector<4096x1xf32>
    %eq3A = vector.broadcast %broadcast_in_dim3A : vector<4096x1xf32> to vector<4096x64xf32>
    %eq3A_7 = arith.cmpf oeq, %dot_general3A_5, %eq3A : vector<4096x64xf32>
    %jit3A = arith.constant 64 : i32
    %broadcast_in_dim3A_8 = vector.broadcast %jit3A : i32 to vector<4096x64xi32>
    %select_n3A = arith.select %eq3A_7, %iota3A, %broadcast_in_dim3A_8 : vector<4096x64xi1>, vector<4096x64xi32>
    %reduce_min3A = arith.constant dense<2147483647> : vector<4096xi32>
    %reduce_min3A_9 = vector.multi_reduction <minsi>, %select_n3A, %reduce_min3A [1] : vector<4096x64xi32> to vector<4096xi32>
    %broadcast_in_dim3A_10 = vector.shape_cast %reduce_min3A_9 : vector<4096xi32> to vector<4096x1xi32>
    %eq3A_11 = vector.broadcast %broadcast_in_dim3A_10 : vector<4096x1xi32> to vector<4096x64xi32>
    %eq3A_12 = arith.cmpi eq, %iota3A, %eq3A_11 : vector<4096x64xi32>
    %jit3A_13 = arith.constant 0xFF800000 : f32
    %broadcast_in_dim3A_14 = vector.broadcast %jit3A_13 : f32 to vector<4096x64xf32>
    %select_n3A_15 = arith.select %eq3A_12, %broadcast_in_dim3A_14, %dot_general3A_5 : vector<4096x64xi1>, vector<4096x64xf32>
    %reduce_max3A_16 = arith.constant dense<0xFF800000> : vector<4096xf32>
    %reduce_max3A_17 = vector.multi_reduction <maximumf>, %select_n3A_15, %reduce_max3A_16 [1] : vector<4096x64xf32> to vector<4096xf32>
    %broadcast_in_dim3A_18 = vector.shape_cast %reduce_max3A_17 : vector<4096xf32> to vector<4096x1xf32>
    %eq3A_19 = vector.broadcast %broadcast_in_dim3A_18 : vector<4096x1xf32> to vector<4096x64xf32>
    %eq3A_20 = arith.cmpf oeq, %select_n3A_15, %eq3A_19 : vector<4096x64xf32>
    %jit3A_21 = arith.constant 64 : i32
    %broadcast_in_dim3A_22 = vector.broadcast %jit3A_21 : i32 to vector<4096x64xi32>
    %select_n3A_23 = arith.select %eq3A_20, %iota3A, %broadcast_in_dim3A_22 : vector<4096x64xi1>, vector<4096x64xi32>
    %reduce_min3A_24 = arith.constant dense<2147483647> : vector<4096xi32>
    %reduce_min3A_25 = vector.multi_reduction <minsi>, %select_n3A_23, %reduce_min3A_24 [1] : vector<4096x64xi32> to vector<4096xi32>
    %broadcast_in_dim3A_26 = vector.shape_cast %reduce_min3A_25 : vector<4096xi32> to vector<4096x1xi32>
    %sub3A = arith.subf %broadcast_in_dim3A_18, %broadcast_in_dim3A : vector<4096x1xf32>
    %exp3A = math.exp %sub3A : vector<4096x1xf32>
    %add3A = arith.constant 1.000000e+00 : f32
    %add3A_27 = vector.broadcast %add3A : f32 to vector<4096x1xf32>
    %add3A_28 = arith.addf %add3A_27, %exp3A : vector<4096x1xf32>
    %div3A = arith.constant 1.000000e+00 : f32
    %div3A_29 = vector.broadcast %div3A : f32 to vector<4096x1xf32>
    %div3A_30 = arith.divf %div3A_29, %add3A_28 : vector<4096x1xf32>
    %div3A_31 = arith.divf %exp3A, %add3A_28 : vector<4096x1xf32>
    %concatenate3A = tpu.concatenate %div3A_30, %div3A_31 in 1 : vector<4096x1xf32>, vector<4096x1xf32> -> vector<4096x2xf32>
    %swap3A = arith.constant 0 : index
    %swap3A_32 = arith.constant 0 : index
    %swap3A_33 = vector.load %arg2[%swap3A, %swap3A_32] : memref<4096x2xf32, #tpu.memory_space<vmem>>, vector<4096x2xf32>
    tpu.vector_store %arg2[%swap3A, %swap3A_32], %concatenate3A {strides = array<i32>} : memref<4096x2xf32, #tpu.memory_space<vmem>>, vector<4096x2xf32>,
    %iota3A_34 = tpu.iota {dimensions = array<i32: 0>} : vector<512x512xi32>
    %iota3A_35 = tpu.iota {dimensions = array<i32: 1>} : vector<512x512xi32>
    %eq3A_36 = arith.cmpi eq, %iota3A_34, %iota3A_35 : vector<512x512xi32>
    %convert_element_type3A = arith.extui %eq3A_36 : vector<512x512xi1> to vector<512x512xi32>
    %convert_element_type3A_37 = arith.sitofp %convert_element_type3A : vector<512x512xi32> to vector<512x512xf32>
    %lt3A = arith.cmpi slt, %iota3A_34, %iota3A_35 : vector<512x512xi32>
    %convert_element_type3A_38 = arith.extui %lt3A : vector<512x512xi1> to vector<512x512xi32>
    %convert_element_type3A_39 = arith.sitofp %convert_element_type3A_38 : vector<512x512xi32> to vector<512x512xf32>
    %iota3A_40 = tpu.iota {dimensions = array<i32: 0>} : vector<64x1xi32>
    %convert_element_type3A_41 = arith.sitofp %iota3A_40 : vector<64x1xi32> to vector<64x1xf32>
    %iota3A_42 = tpu.iota {dimensions = array<i32: 0>} : vector<64x64xi32>
    %iota3A_43 = tpu.iota {dimensions = array<i32: 1>} : vector<64x64xi32>
    %ge3A = arith.cmpi sge, %iota3A_42, %iota3A_43 : vector<64x64xi32>
    %convert_element_type3A_44 = arith.extui %ge3A : vector<64x64xi1> to vector<64x64xi32>
    %convert_element_type3A_45 = arith.sitofp %convert_element_type3A_44 : vector<64x64xi32> to vector<64x64xf32>
    %convert_element_type3A_46 = arith.sitofp %broadcast_in_dim3A_10 : vector<4096x1xi32> to vector<4096x1xf32>
    %convert_element_type3A_47 = arith.sitofp %broadcast_in_dim3A_26 : vector<4096x1xi32> to vector<4096x1xf32>
    %broadcast_in_dim3A_48 = arith.constant 0.000000e+00 : f32
    %broadcast_in_dim3A_49 = vector.broadcast %broadcast_in_dim3A_48 : f32 to vector<64x1xf32>
    %slice3A = vector.extract_strided_slice %convert_element_type3A_46 {offsets = [0, 0], sizes = [512, 1], strides = [1, 1]} : vector<4096x1xf32> to vector<512x1xf32>
    %mul3A = vector.broadcast %slice3A : vector<512x1xf32> to vector<512x512xf32>
    %mul3A_50 = arith.mulf %mul3A, %convert_element_type3A_37 : vector<512x512xf32>
    %reduce_sum3A = arith.constant dense<0.000000e+00> : vector<512xf32>
    %reduce_sum3A_51 = vector.multi_reduction <add>, %mul3A_50, %reduce_sum3A [0] : vector<512x512xf32> to vector<512xf32>
    %broadcast_in_dim3A_52 = vector.shape_cast %reduce_sum3A_51 : vector<512xf32> to vector<1x512xf32>
    %eq3A_53 = vector.broadcast %convert_element_type3A_41 : vector<64x1xf32> to vector<64x512xf32>
    %eq3A_54 = vector.broadcast %broadcast_in_dim3A_52 : vector<1x512xf32> to vector<64x512xf32>
    %eq3A_55 = arith.cmpf oeq, %eq3A_53, %eq3A_54 : vector<64x512xf32>
    %convert_element_type3A_56 = arith.extui %eq3A_55 : vector<64x512xi1> to vector<64x512xi32>
    %convert_element_type3A_57 = arith.sitofp %convert_element_type3A_56 : vector<64x512xi32> to vector<64x512xf32>
    %reduce_sum3A_58 = arith.constant dense<0.000000e+00> : vector<64xf32>
    %reduce_sum3A_59 = vector.multi_reduction <add>, %convert_element_type3A_57, %reduce_sum3A_58 [1] : vector<64x512xf32> to vector<64xf32>
    %broadcast_in_dim3A_60 = vector.shape_cast %reduce_sum3A_59 : vector<64xf32> to vector<64x1xf32>
    %add3A_61 = arith.addf %broadcast_in_dim3A_49, %broadcast_in_dim3A_60 : vector<64x1xf32>
    %slice3A_62 = vector.extract_strided_slice %convert_element_type3A_46 {offsets = [512, 0], sizes = [512, 1], strides = [1, 1]} : vector<4096x1xf32> to vector<512x1xf32>
    %mul3A_63 = vector.broadcast %slice3A_62 : vector<512x1xf32> to vector<512x512xf32>
    %mul3A_64 = arith.mulf %mul3A_63, %convert_element_type3A_37 : vector<512x512xf32>
    %reduce_sum3A_65 = arith.constant dense<0.000000e+00> : vector<512xf32>
    %reduce_sum3A_66 = vector.multi_reduction <add>, %mul3A_64, %reduce_sum3A_65 [0] : vector<512x512xf32> to vector<512xf32>
    %broadcast_in_dim3A_67 = vector.shape_cast %reduce_sum3A_66 : vector<512xf32> to vector<1x512xf32>
    %eq3A_68 = vector.broadcast %convert_element_type3A_41 : vector<64x1xf32> to vector<64x512xf32>
    %eq3A_69 = vector.broadcast %broadcast_in_dim3A_67 : vector<1x512xf32> to vector<64x512xf32>
    %eq3A_70 = arith.cmpf oeq, %eq3A_68, %eq3A_69 : vector<64x512xf32>
    %convert_element_type3A_71 = arith.extui %eq3A_70 : vector<64x512xi1> to vector<64x512xi32>
    %convert_element_type3A_72 = arith.sitofp %convert_element_type3A_71 : vector<64x512xi32> to vector<64x512xf32>
    %reduce_sum3A_73 = arith.constant dense<0.000000e+00> : vector<64xf32>
    %reduce_sum3A_74 = vector.multi_reduction <add>, %convert_element_type3A_72, %reduce_sum3A_73 [1] : vector<64x512xf32> to vector<64xf32>
    %broadcast_in_dim3A_75 = vector.shape_cast %reduce_sum3A_74 : vector<64xf32> to vector<64x1xf32>
    %add3A_76 = arith.addf %add3A_61, %broadcast_in_dim3A_75 : vector<64x1xf32>
    %slice3A_77 = vector.extract_strided_slice %convert_element_type3A_46 {offsets = [1024, 0], sizes = [512, 1], strides = [1, 1]} : vector<4096x1xf32> to vector<512x1xf32>
    %mul3A_78 = vector.broadcast %slice3A_77 : vector<512x1xf32> to vector<512x512xf32>
    %mul3A_79 = arith.mulf %mul3A_78, %convert_element_type3A_37 : vector<512x512xf32>
    %reduce_sum3A_80 = arith.constant dense<0.000000e+00> : vector<512xf32>
    %reduce_sum3A_81 = vector.multi_reduction <add>, %mul3A_79, %reduce_sum3A_80 [0] : vector<512x512xf32> to vector<512xf32>
    %broadcast_in_dim3A_82 = vector.shape_cast %reduce_sum3A_81 : vector<512xf32> to vector<1x512xf32>
    %eq3A_83 = vector.broadcast %convert_element_type3A_41 : vector<64x1xf32> to vector<64x512xf32>
    %eq3A_84 = vector.broadcast %broadcast_in_dim3A_82 : vector<1x512xf32> to vector<64x512xf32>
    %eq3A_85 = arith.cmpf oeq, %eq3A_83, %eq3A_84 : vector<64x512xf32>
    %convert_element_type3A_86 = arith.extui %eq3A_85 : vector<64x512xi1> to vector<64x512xi32>
    %convert_element_type3A_87 = arith.sitofp %convert_element_type3A_86 : vector<64x512xi32> to vector<64x512xf32>
    %reduce_sum3A_88 = arith.constant dense<0.000000e+00> : vector<64xf32>
    %reduce_sum3A_89 = vector.multi_reduction <add>, %convert_element_type3A_87, %reduce_sum3A_88 [1] : vector<64x512xf32> to vector<64xf32>
    %broadcast_in_dim3A_90 = vector.shape_cast %reduce_sum3A_89 : vector<64xf32> to vector<64x1xf32>
    %add3A_91 = arith.addf %add3A_76, %broadcast_in_dim3A_90 : vector<64x1xf32>
    %slice3A_92 = vector.extract_strided_slice %convert_element_type3A_46 {offsets = [1536, 0], sizes = [512, 1], strides = [1, 1]} : vector<4096x1xf32> to vector<512x1xf32>
    %mul3A_93 = vector.broadcast %slice3A_92 : vector<512x1xf32> to vector<512x512xf32>
    %mul3A_94 = arith.mulf %mul3A_93, %convert_element_type3A_37 : vector<512x512xf32>
    %reduce_sum3A_95 = arith.constant dense<0.000000e+00> : vector<512xf32>
    %reduce_sum3A_96 = vector.multi_reduction <add>, %mul3A_94, %reduce_sum3A_95 [0] : vector<512x512xf32> to vector<512xf32>
    %broadcast_in_dim3A_97 = vector.shape_cast %reduce_sum3A_96 : vector<512xf32> to vector<1x512xf32>
    %eq3A_98 = vector.broadcast %convert_element_type3A_41 : vector<64x1xf32> to vector<64x512xf32>
    %eq3A_99 = vector.broadcast %broadcast_in_dim3A_97 : vector<1x512xf32> to vector<64x512xf32>
    %eq3A_100 = arith.cmpf oeq, %eq3A_98, %eq3A_99 : vector<64x512xf32>
    %convert_element_type3A_101 = arith.extui %eq3A_100 : vector<64x512xi1> to vector<64x512xi32>
    %convert_element_type3A_102 = arith.sitofp %convert_element_type3A_101 : vector<64x512xi32> to vector<64x512xf32>
    %reduce_sum3A_103 = arith.constant dense<0.000000e+00> : vector<64xf32>
    %reduce_sum3A_104 = vector.multi_reduction <add>, %convert_element_type3A_102, %reduce_sum3A_103 [1] : vector<64x512xf32> to vector<64xf32>
    %broadcast_in_dim3A_105 = vector.shape_cast %reduce_sum3A_104 : vector<64xf32> to vector<64x1xf32>
    %add3A_106 = arith.addf %add3A_91, %broadcast_in_dim3A_105 : vector<64x1xf32>
    %slice3A_107 = vector.extract_strided_slice %convert_element_type3A_46 {offsets = [2048, 0], sizes = [512, 1], strides = [1, 1]} : vector<4096x1xf32> to vector<512x1xf32>
    %mul3A_108 = vector.broadcast %slice3A_107 : vector<512x1xf32> to vector<512x512xf32>
    %mul3A_109 = arith.mulf %mul3A_108, %convert_element_type3A_37 : vector<512x512xf32>
    %reduce_sum3A_110 = arith.constant dense<0.000000e+00> : vector<512xf32>
    %reduce_sum3A_111 = vector.multi_reduction <add>, %mul3A_109, %reduce_sum3A_110 [0] : vector<512x512xf32> to vector<512xf32>
    %broadcast_in_dim3A_112 = vector.shape_cast %reduce_sum3A_111 : vector<512xf32> to vector<1x512xf32>
    %eq3A_113 = vector.broadcast %convert_element_type3A_41 : vector<64x1xf32> to vector<64x512xf32>
    %eq3A_114 = vector.broadcast %broadcast_in_dim3A_112 : vector<1x512xf32> to vector<64x512xf32>
    %eq3A_115 = arith.cmpf oeq, %eq3A_113, %eq3A_114 : vector<64x512xf32>
    %convert_element_type3A_116 = arith.extui %eq3A_115 : vector<64x512xi1> to vector<64x512xi32>
    %convert_element_type3A_117 = arith.sitofp %convert_element_type3A_116 : vector<64x512xi32> to vector<64x512xf32>
    %reduce_sum3A_118 = arith.constant dense<0.000000e+00> : vector<64xf32>
    %reduce_sum3A_119 = vector.multi_reduction <add>, %convert_element_type3A_117, %reduce_sum3A_118 [1] : vector<64x512xf32> to vector<64xf32>
    %broadcast_in_dim3A_120 = vector.shape_cast %reduce_sum3A_119 : vector<64xf32> to vector<64x1xf32>
    %add3A_121 = arith.addf %add3A_106, %broadcast_in_dim3A_120 : vector<64x1xf32>
    %slice3A_122 = vector.extract_strided_slice %convert_element_type3A_46 {offsets = [2560, 0], sizes = [512, 1], strides = [1, 1]} : vector<4096x1xf32> to vector<512x1xf32>
    %mul3A_123 = vector.broadcast %slice3A_122 : vector<512x1xf32> to vector<512x512xf32>
    %mul3A_124 = arith.mulf %mul3A_123, %convert_element_type3A_37 : vector<512x512xf32>
    %reduce_sum3A_125 = arith.constant dense<0.000000e+00> : vector<512xf32>
    %reduce_sum3A_126 = vector.multi_reduction <add>, %mul3A_124, %reduce_sum3A_125 [0] : vector<512x512xf32> to vector<512xf32>
    %broadcast_in_dim3A_127 = vector.shape_cast %reduce_sum3A_126 : vector<512xf32> to vector<1x512xf32>
    %eq3A_128 = vector.broadcast %convert_element_type3A_41 : vector<64x1xf32> to vector<64x512xf32>
    %eq3A_129 = vector.broadcast %broadcast_in_dim3A_127 : vector<1x512xf32> to vector<64x512xf32>
    %eq3A_130 = arith.cmpf oeq, %eq3A_128, %eq3A_129 : vector<64x512xf32>
    %convert_element_type3A_131 = arith.extui %eq3A_130 : vector<64x512xi1> to vector<64x512xi32>
    %convert_element_type3A_132 = arith.sitofp %convert_element_type3A_131 : vector<64x512xi32> to vector<64x512xf32>
    %reduce_sum3A_133 = arith.constant dense<0.000000e+00> : vector<64xf32>
    %reduce_sum3A_134 = vector.multi_reduction <add>, %convert_element_type3A_132, %reduce_sum3A_133 [1] : vector<64x512xf32> to vector<64xf32>
    %broadcast_in_dim3A_135 = vector.shape_cast %reduce_sum3A_134 : vector<64xf32> to vector<64x1xf32>
    %add3A_136 = arith.addf %add3A_121, %broadcast_in_dim3A_135 : vector<64x1xf32>
    %slice3A_137 = vector.extract_strided_slice %convert_element_type3A_46 {offsets = [3072, 0], sizes = [512, 1], strides = [1, 1]} : vector<4096x1xf32> to vector<512x1xf32>
    %mul3A_138 = vector.broadcast %slice3A_137 : vector<512x1xf32> to vector<512x512xf32>
    %mul3A_139 = arith.mulf %mul3A_138, %convert_element_type3A_37 : vector<512x512xf32>
    %reduce_sum3A_140 = arith.constant dense<0.000000e+00> : vector<512xf32>
    %reduce_sum3A_141 = vector.multi_reduction <add>, %mul3A_139, %reduce_sum3A_140 [0] : vector<512x512xf32> to vector<512xf32>
    %broadcast_in_dim3A_142 = vector.shape_cast %reduce_sum3A_141 : vector<512xf32> to vector<1x512xf32>
    %eq3A_143 = vector.broadcast %convert_element_type3A_41 : vector<64x1xf32> to vector<64x512xf32>
    %eq3A_144 = vector.broadcast %broadcast_in_dim3A_142 : vector<1x512xf32> to vector<64x512xf32>
    %eq3A_145 = arith.cmpf oeq, %eq3A_143, %eq3A_144 : vector<64x512xf32>
    %convert_element_type3A_146 = arith.extui %eq3A_145 : vector<64x512xi1> to vector<64x512xi32>
    %convert_element_type3A_147 = arith.sitofp %convert_element_type3A_146 : vector<64x512xi32> to vector<64x512xf32>
    %reduce_sum3A_148 = arith.constant dense<0.000000e+00> : vector<64xf32>
    %reduce_sum3A_149 = vector.multi_reduction <add>, %convert_element_type3A_147, %reduce_sum3A_148 [1] : vector<64x512xf32> to vector<64xf32>
    %broadcast_in_dim3A_150 = vector.shape_cast %reduce_sum3A_149 : vector<64xf32> to vector<64x1xf32>
    %add3A_151 = arith.addf %add3A_136, %broadcast_in_dim3A_150 : vector<64x1xf32>
    %slice3A_152 = vector.extract_strided_slice %convert_element_type3A_46 {offsets = [3584, 0], sizes = [512, 1], strides = [1, 1]} : vector<4096x1xf32> to vector<512x1xf32>
    %mul3A_153 = vector.broadcast %slice3A_152 : vector<512x1xf32> to vector<512x512xf32>
    %mul3A_154 = arith.mulf %mul3A_153, %convert_element_type3A_37 : vector<512x512xf32>
    %reduce_sum3A_155 = arith.constant dense<0.000000e+00> : vector<512xf32>
    %reduce_sum3A_156 = vector.multi_reduction <add>, %mul3A_154, %reduce_sum3A_155 [0] : vector<512x512xf32> to vector<512xf32>
    %broadcast_in_dim3A_157 = vector.shape_cast %reduce_sum3A_156 : vector<512xf32> to vector<1x512xf32>
    %eq3A_158 = vector.broadcast %convert_element_type3A_41 : vector<64x1xf32> to vector<64x512xf32>
    %eq3A_159 = vector.broadcast %broadcast_in_dim3A_157 : vector<1x512xf32> to vector<64x512xf32>
    %eq3A_160 = arith.cmpf oeq, %eq3A_158, %eq3A_159 : vector<64x512xf32>
    %convert_element_type3A_161 = arith.extui %eq3A_160 : vector<64x512xi1> to vector<64x512xi32>
    %convert_element_type3A_162 = arith.sitofp %convert_element_type3A_161 : vector<64x512xi32> to vector<64x512xf32>
    %reduce_sum3A_163 = arith.constant dense<0.000000e+00> : vector<64xf32>
    %reduce_sum3A_164 = vector.multi_reduction <add>, %convert_element_type3A_162, %reduce_sum3A_163 [1] : vector<64x512xf32> to vector<64xf32>
    %broadcast_in_dim3A_165 = vector.shape_cast %reduce_sum3A_164 : vector<64xf32> to vector<64x1xf32>
    %add3A_166 = arith.addf %add3A_151, %broadcast_in_dim3A_165 : vector<64x1xf32>
    %slice3A_167 = vector.extract_strided_slice %convert_element_type3A_47 {offsets = [0, 0], sizes = [512, 1], strides = [1, 1]} : vector<4096x1xf32> to vector<512x1xf32>
    %mul3A_168 = vector.broadcast %slice3A_167 : vector<512x1xf32> to vector<512x512xf32>
    %mul3A_169 = arith.mulf %mul3A_168, %convert_element_type3A_37 : vector<512x512xf32>
    %reduce_sum3A_170 = arith.constant dense<0.000000e+00> : vector<512xf32>
    %reduce_sum3A_171 = vector.multi_reduction <add>, %mul3A_169, %reduce_sum3A_170 [0] : vector<512x512xf32> to vector<512xf32>
    %broadcast_in_dim3A_172 = vector.shape_cast %reduce_sum3A_171 : vector<512xf32> to vector<1x512xf32>
    %eq3A_173 = vector.broadcast %convert_element_type3A_41 : vector<64x1xf32> to vector<64x512xf32>
    %eq3A_174 = vector.broadcast %broadcast_in_dim3A_172 : vector<1x512xf32> to vector<64x512xf32>
    %eq3A_175 = arith.cmpf oeq, %eq3A_173, %eq3A_174 : vector<64x512xf32>
    %convert_element_type3A_176 = arith.extui %eq3A_175 : vector<64x512xi1> to vector<64x512xi32>
    %convert_element_type3A_177 = arith.sitofp %convert_element_type3A_176 : vector<64x512xi32> to vector<64x512xf32>
    %reduce_sum3A_178 = arith.constant dense<0.000000e+00> : vector<64xf32>
    %reduce_sum3A_179 = vector.multi_reduction <add>, %convert_element_type3A_177, %reduce_sum3A_178 [1] : vector<64x512xf32> to vector<64xf32>
    %broadcast_in_dim3A_180 = vector.shape_cast %reduce_sum3A_179 : vector<64xf32> to vector<64x1xf32>
    %add3A_181 = arith.addf %add3A_166, %broadcast_in_dim3A_180 : vector<64x1xf32>
    %slice3A_182 = vector.extract_strided_slice %convert_element_type3A_47 {offsets = [512, 0], sizes = [512, 1], strides = [1, 1]} : vector<4096x1xf32> to vector<512x1xf32>
    %mul3A_183 = vector.broadcast %slice3A_182 : vector<512x1xf32> to vector<512x512xf32>
    %mul3A_184 = arith.mulf %mul3A_183, %convert_element_type3A_37 : vector<512x512xf32>
    %reduce_sum3A_185 = arith.constant dense<0.000000e+00> : vector<512xf32>
    %reduce_sum3A_186 = vector.multi_reduction <add>, %mul3A_184, %reduce_sum3A_185 [0] : vector<512x512xf32> to vector<512xf32>
    %broadcast_in_dim3A_187 = vector.shape_cast %reduce_sum3A_186 : vector<512xf32> to vector<1x512xf32>
    %eq3A_188 = vector.broadcast %convert_element_type3A_41 : vector<64x1xf32> to vector<64x512xf32>
    %eq3A_189 = vector.broadcast %broadcast_in_dim3A_187 : vector<1x512xf32> to vector<64x512xf32>
    %eq3A_190 = arith.cmpf oeq, %eq3A_188, %eq3A_189 : vector<64x512xf32>
    %convert_element_type3A_191 = arith.extui %eq3A_190 : vector<64x512xi1> to vector<64x512xi32>
    %convert_element_type3A_192 = arith.sitofp %convert_element_type3A_191 : vector<64x512xi32> to vector<64x512xf32>
    %reduce_sum3A_193 = arith.constant dense<0.000000e+00> : vector<64xf32>
    %reduce_sum3A_194 = vector.multi_reduction <add>, %convert_element_type3A_192, %reduce_sum3A_193 [1] : vector<64x512xf32> to vector<64xf32>
    %broadcast_in_dim3A_195 = vector.shape_cast %reduce_sum3A_194 : vector<64xf32> to vector<64x1xf32>
    %add3A_196 = arith.addf %add3A_181, %broadcast_in_dim3A_195 : vector<64x1xf32>
    %slice3A_197 = vector.extract_strided_slice %convert_element_type3A_47 {offsets = [1024, 0], sizes = [512, 1], strides = [1, 1]} : vector<4096x1xf32> to vector<512x1xf32>
    %mul3A_198 = vector.broadcast %slice3A_197 : vector<512x1xf32> to vector<512x512xf32>
    %mul3A_199 = arith.mulf %mul3A_198, %convert_element_type3A_37 : vector<512x512xf32>
    %reduce_sum3A_200 = arith.constant dense<0.000000e+00> : vector<512xf32>
    %reduce_sum3A_201 = vector.multi_reduction <add>, %mul3A_199, %reduce_sum3A_200 [0] : vector<512x512xf32> to vector<512xf32>
    %broadcast_in_dim3A_202 = vector.shape_cast %reduce_sum3A_201 : vector<512xf32> to vector<1x512xf32>
    %eq3A_203 = vector.broadcast %convert_element_type3A_41 : vector<64x1xf32> to vector<64x512xf32>
    %eq3A_204 = vector.broadcast %broadcast_in_dim3A_202 : vector<1x512xf32> to vector<64x512xf32>
    %eq3A_205 = arith.cmpf oeq, %eq3A_203, %eq3A_204 : vector<64x512xf32>
    %convert_element_type3A_206 = arith.extui %eq3A_205 : vector<64x512xi1> to vector<64x512xi32>
    %convert_element_type3A_207 = arith.sitofp %convert_element_type3A_206 : vector<64x512xi32> to vector<64x512xf32>
    %reduce_sum3A_208 = arith.constant dense<0.000000e+00> : vector<64xf32>
    %reduce_sum3A_209 = vector.multi_reduction <add>, %convert_element_type3A_207, %reduce_sum3A_208 [1] : vector<64x512xf32> to vector<64xf32>
    %broadcast_in_dim3A_210 = vector.shape_cast %reduce_sum3A_209 : vector<64xf32> to vector<64x1xf32>
    %add3A_211 = arith.addf %add3A_196, %broadcast_in_dim3A_210 : vector<64x1xf32>
    %slice3A_212 = vector.extract_strided_slice %convert_element_type3A_47 {offsets = [1536, 0], sizes = [512, 1], strides = [1, 1]} : vector<4096x1xf32> to vector<512x1xf32>
    %mul3A_213 = vector.broadcast %slice3A_212 : vector<512x1xf32> to vector<512x512xf32>
    %mul3A_214 = arith.mulf %mul3A_213, %convert_element_type3A_37 : vector<512x512xf32>
    %reduce_sum3A_215 = arith.constant dense<0.000000e+00> : vector<512xf32>
    %reduce_sum3A_216 = vector.multi_reduction <add>, %mul3A_214, %reduce_sum3A_215 [0] : vector<512x512xf32> to vector<512xf32>
    %broadcast_in_dim3A_217 = vector.shape_cast %reduce_sum3A_216 : vector<512xf32> to vector<1x512xf32>
    %eq3A_218 = vector.broadcast %convert_element_type3A_41 : vector<64x1xf32> to vector<64x512xf32>
    %eq3A_219 = vector.broadcast %broadcast_in_dim3A_217 : vector<1x512xf32> to vector<64x512xf32>
    %eq3A_220 = arith.cmpf oeq, %eq3A_218, %eq3A_219 : vector<64x512xf32>
    %convert_element_type3A_221 = arith.extui %eq3A_220 : vector<64x512xi1> to vector<64x512xi32>
    %convert_element_type3A_222 = arith.sitofp %convert_element_type3A_221 : vector<64x512xi32> to vector<64x512xf32>
    %reduce_sum3A_223 = arith.constant dense<0.000000e+00> : vector<64xf32>
    %reduce_sum3A_224 = vector.multi_reduction <add>, %convert_element_type3A_222, %reduce_sum3A_223 [1] : vector<64x512xf32> to vector<64xf32>
    %broadcast_in_dim3A_225 = vector.shape_cast %reduce_sum3A_224 : vector<64xf32> to vector<64x1xf32>
    %add3A_226 = arith.addf %add3A_211, %broadcast_in_dim3A_225 : vector<64x1xf32>
    %slice3A_227 = vector.extract_strided_slice %convert_element_type3A_47 {offsets = [2048, 0], sizes = [512, 1], strides = [1, 1]} : vector<4096x1xf32> to vector<512x1xf32>
    %mul3A_228 = vector.broadcast %slice3A_227 : vector<512x1xf32> to vector<512x512xf32>
    %mul3A_229 = arith.mulf %mul3A_228, %convert_element_type3A_37 : vector<512x512xf32>
    %reduce_sum3A_230 = arith.constant dense<0.000000e+00> : vector<512xf32>
    %reduce_sum3A_231 = vector.multi_reduction <add>, %mul3A_229, %reduce_sum3A_230 [0] : vector<512x512xf32> to vector<512xf32>
    %broadcast_in_dim3A_232 = vector.shape_cast %reduce_sum3A_231 : vector<512xf32> to vector<1x512xf32>
    %eq3A_233 = vector.broadcast %convert_element_type3A_41 : vector<64x1xf32> to vector<64x512xf32>
    %eq3A_234 = vector.broadcast %broadcast_in_dim3A_232 : vector<1x512xf32> to vector<64x512xf32>
    %eq3A_235 = arith.cmpf oeq, %eq3A_233, %eq3A_234 : vector<64x512xf32>
    %convert_element_type3A_236 = arith.extui %eq3A_235 : vector<64x512xi1> to vector<64x512xi32>
    %convert_element_type3A_237 = arith.sitofp %convert_element_type3A_236 : vector<64x512xi32> to vector<64x512xf32>
    %reduce_sum3A_238 = arith.constant dense<0.000000e+00> : vector<64xf32>
    %reduce_sum3A_239 = vector.multi_reduction <add>, %convert_element_type3A_237, %reduce_sum3A_238 [1] : vector<64x512xf32> to vector<64xf32>
    %broadcast_in_dim3A_240 = vector.shape_cast %reduce_sum3A_239 : vector<64xf32> to vector<64x1xf32>
    %add3A_241 = arith.addf %add3A_226, %broadcast_in_dim3A_240 : vector<64x1xf32>
    %slice3A_242 = vector.extract_strided_slice %convert_element_type3A_47 {offsets = [2560, 0], sizes = [512, 1], strides = [1, 1]} : vector<4096x1xf32> to vector<512x1xf32>
    %mul3A_243 = vector.broadcast %slice3A_242 : vector<512x1xf32> to vector<512x512xf32>
    %mul3A_244 = arith.mulf %mul3A_243, %convert_element_type3A_37 : vector<512x512xf32>
    %reduce_sum3A_245 = arith.constant dense<0.000000e+00> : vector<512xf32>
    %reduce_sum3A_246 = vector.multi_reduction <add>, %mul3A_244, %reduce_sum3A_245 [0] : vector<512x512xf32> to vector<512xf32>
    %broadcast_in_dim3A_247 = vector.shape_cast %reduce_sum3A_246 : vector<512xf32> to vector<1x512xf32>
    %eq3A_248 = vector.broadcast %convert_element_type3A_41 : vector<64x1xf32> to vector<64x512xf32>
    %eq3A_249 = vector.broadcast %broadcast_in_dim3A_247 : vector<1x512xf32> to vector<64x512xf32>
    %eq3A_250 = arith.cmpf oeq, %eq3A_248, %eq3A_249 : vector<64x512xf32>
    %convert_element_type3A_251 = arith.extui %eq3A_250 : vector<64x512xi1> to vector<64x512xi32>
    %convert_element_type3A_252 = arith.sitofp %convert_element_type3A_251 : vector<64x512xi32> to vector<64x512xf32>
    %reduce_sum3A_253 = arith.constant dense<0.000000e+00> : vector<64xf32>
    %reduce_sum3A_254 = vector.multi_reduction <add>, %convert_element_type3A_252, %reduce_sum3A_253 [1] : vector<64x512xf32> to vector<64xf32>
    %broadcast_in_dim3A_255 = vector.shape_cast %reduce_sum3A_254 : vector<64xf32> to vector<64x1xf32>
    %add3A_256 = arith.addf %add3A_241, %broadcast_in_dim3A_255 : vector<64x1xf32>
    %slice3A_257 = vector.extract_strided_slice %convert_element_type3A_47 {offsets = [3072, 0], sizes = [512, 1], strides = [1, 1]} : vector<4096x1xf32> to vector<512x1xf32>
    %mul3A_258 = vector.broadcast %slice3A_257 : vector<512x1xf32> to vector<512x512xf32>
    %mul3A_259 = arith.mulf %mul3A_258, %convert_element_type3A_37 : vector<512x512xf32>
    %reduce_sum3A_260 = arith.constant dense<0.000000e+00> : vector<512xf32>
    %reduce_sum3A_261 = vector.multi_reduction <add>, %mul3A_259, %reduce_sum3A_260 [0] : vector<512x512xf32> to vector<512xf32>
    %broadcast_in_dim3A_262 = vector.shape_cast %reduce_sum3A_261 : vector<512xf32> to vector<1x512xf32>
    %eq3A_263 = vector.broadcast %convert_element_type3A_41 : vector<64x1xf32> to vector<64x512xf32>
    %eq3A_264 = vector.broadcast %broadcast_in_dim3A_262 : vector<1x512xf32> to vector<64x512xf32>
    %eq3A_265 = arith.cmpf oeq, %eq3A_263, %eq3A_264 : vector<64x512xf32>
    %convert_element_type3A_266 = arith.extui %eq3A_265 : vector<64x512xi1> to vector<64x512xi32>
    %convert_element_type3A_267 = arith.sitofp %convert_element_type3A_266 : vector<64x512xi32> to vector<64x512xf32>
    %reduce_sum3A_268 = arith.constant dense<0.000000e+00> : vector<64xf32>
    %reduce_sum3A_269 = vector.multi_reduction <add>, %convert_element_type3A_267, %reduce_sum3A_268 [1] : vector<64x512xf32> to vector<64xf32>
    %broadcast_in_dim3A_270 = vector.shape_cast %reduce_sum3A_269 : vector<64xf32> to vector<64x1xf32>
    %add3A_271 = arith.addf %add3A_256, %broadcast_in_dim3A_270 : vector<64x1xf32>
    %slice3A_272 = vector.extract_strided_slice %convert_element_type3A_47 {offsets = [3584, 0], sizes = [512, 1], strides = [1, 1]} : vector<4096x1xf32> to vector<512x1xf32>
    %mul3A_273 = vector.broadcast %slice3A_272 : vector<512x1xf32> to vector<512x512xf32>
    %mul3A_274 = arith.mulf %mul3A_273, %convert_element_type3A_37 : vector<512x512xf32>
    %reduce_sum3A_275 = arith.constant dense<0.000000e+00> : vector<512xf32>
    %reduce_sum3A_276 = vector.multi_reduction <add>, %mul3A_274, %reduce_sum3A_275 [0] : vector<512x512xf32> to vector<512xf32>
    %broadcast_in_dim3A_277 = vector.shape_cast %reduce_sum3A_276 : vector<512xf32> to vector<1x512xf32>
    %eq3A_278 = vector.broadcast %convert_element_type3A_41 : vector<64x1xf32> to vector<64x512xf32>
    %eq3A_279 = vector.broadcast %broadcast_in_dim3A_277 : vector<1x512xf32> to vector<64x512xf32>
    %eq3A_280 = arith.cmpf oeq, %eq3A_278, %eq3A_279 : vector<64x512xf32>
    %convert_element_type3A_281 = arith.extui %eq3A_280 : vector<64x512xi1> to vector<64x512xi32>
    %convert_element_type3A_282 = arith.sitofp %convert_element_type3A_281 : vector<64x512xi32> to vector<64x512xf32>
    %reduce_sum3A_283 = arith.constant dense<0.000000e+00> : vector<64xf32>
    %reduce_sum3A_284 = vector.multi_reduction <add>, %convert_element_type3A_282, %reduce_sum3A_283 [1] : vector<64x512xf32> to vector<64xf32>
    %broadcast_in_dim3A_285 = vector.shape_cast %reduce_sum3A_284 : vector<64xf32> to vector<64x1xf32>
    %add3A_286 = arith.addf %add3A_271, %broadcast_in_dim3A_285 : vector<64x1xf32>
    %add3A_287 = arith.constant 1.270000e+02 : f32
    %add3A_288 = vector.broadcast %add3A_287 : f32 to vector<64x1xf32>
    %add3A_289 = arith.addf %add3A_286, %add3A_288 : vector<64x1xf32>
    %mul3A_290 = arith.constant 7.812500e-03 : f32
    %mul3A_291 = vector.broadcast %mul3A_290 : f32 to vector<64x1xf32>
    %mul3A_292 = arith.mulf %add3A_289, %mul3A_291 : vector<64x1xf32>
    %floor3A = math.floor %mul3A_292 : vector<64x1xf32>
    %mul3A_293 = arith.constant 1.280000e+02 : f32
    %mul3A_294 = vector.broadcast %mul3A_293 : f32 to vector<64x1xf32>
    %mul3A_295 = arith.mulf %floor3A, %mul3A_294 : vector<64x1xf32>
    %dot_general3A_296 = arith.constant dense<0.000000e+00> : vector<64x1xf32>
    %dot_general3A_297 = tpu.matmul %convert_element_type3A_45, %mul3A_295, %dot_general3A_296 {dimension_numbers = #tpu.dot_dimension_numbers<[1], [0], [0], [1], [0, 0, 1, 1], [], []>, transpose_lhs_hint = false} : vector<64x64xf32>, vector<64x1xf32>, vector<64x1xf32> -> vector<64x1xf32>
    %sub3A_298 = arith.subf %dot_general3A_297, %mul3A_295 : vector<64x1xf32>
    %slice3A_299 = vector.extract_strided_slice %dot_general3A_297 {offsets = [63, 0], sizes = [1, 1], strides = [1, 1]} : vector<64x1xf32> to vector<1x1xf32>
    %mul3A_300 = arith.constant 7.812500e-03 : f32
    %mul3A_301 = vector.broadcast %mul3A_300 : f32 to vector<1x1xf32>
    %mul3A_302 = arith.mulf %slice3A_299, %mul3A_301 : vector<1x1xf32>
    %dot_general3A_303 = arith.constant dense<0.000000e+00> : vector<64x512xf32>
    %dot_general3A_304 = tpu.matmul %convert_element_type3A_57, %convert_element_type3A_39, %dot_general3A_303 {dimension_numbers = #tpu.dot_dimension_numbers<[1], [0], [0], [1], [0, 0, 1, 1], [], []>, transpose_lhs_hint = false} : vector<64x512xf32>, vector<512x512xf32>, vector<64x512xf32> -> vector<64x512xf32>
    %add3A_305 = vector.broadcast %broadcast_in_dim3A_49 : vector<64x1xf32> to vector<64x512xf32>
    %add3A_306 = arith.addf %dot_general3A_304, %add3A_305 : vector<64x512xf32>
    %add3A_307 = vector.broadcast %sub3A_298 : vector<64x1xf32> to vector<64x512xf32>
    %add3A_308 = arith.addf %add3A_306, %add3A_307 : vector<64x512xf32>
    %mul3A_309 = arith.mulf %convert_element_type3A_57, %add3A_308 : vector<64x512xf32>
    %reduce_sum3A_310 = arith.constant dense<0.000000e+00> : vector<512xf32>
    %reduce_sum3A_311 = vector.multi_reduction <add>, %mul3A_309, %reduce_sum3A_310 [0] : vector<64x512xf32> to vector<512xf32>
    %broadcast_in_dim3A_312 = vector.shape_cast %reduce_sum3A_311 : vector<512xf32> to vector<1x512xf32>
    %convert_element_type3A_313 = arith.fptosi %broadcast_in_dim3A_312 : vector<1x512xf32> to vector<1x512xi32>
    %swap3A_314 = arith.constant 0 : index
    %swap3A_315 = arith.constant 0 : index
    %swap3A_316 = vector.load %arg3[%swap3A_314, %swap3A_315] : memref<2x4096xi32, #tpu.memory_space<vmem>>, vector<1x512xi32>
    tpu.vector_store %arg3[%swap3A_314, %swap3A_315], %convert_element_type3A_313 {strides = array<i32>} : memref<2x4096xi32, #tpu.memory_space<vmem>>, vector<1x512xi32>,
    %dot_general3A_317 = arith.constant dense<0.000000e+00> : vector<64x512xf32>
    %dot_general3A_318 = tpu.matmul %convert_element_type3A_72, %convert_element_type3A_39, %dot_general3A_317 {dimension_numbers = #tpu.dot_dimension_numbers<[1], [0], [0], [1], [0, 0, 1, 1], [], []>, transpose_lhs_hint = false} : vector<64x512xf32>, vector<512x512xf32>, vector<64x512xf32> -> vector<64x512xf32>
    %add3A_319 = vector.broadcast %add3A_61 : vector<64x1xf32> to vector<64x512xf32>
    %add3A_320 = arith.addf %dot_general3A_318, %add3A_319 : vector<64x512xf32>
    %add3A_321 = vector.broadcast %sub3A_298 : vector<64x1xf32> to vector<64x512xf32>
    %add3A_322 = arith.addf %add3A_320, %add3A_321 : vector<64x512xf32>
    %mul3A_323 = arith.mulf %convert_element_type3A_72, %add3A_322 : vector<64x512xf32>
    %reduce_sum3A_324 = arith.constant dense<0.000000e+00> : vector<512xf32>
    %reduce_sum3A_325 = vector.multi_reduction <add>, %mul3A_323, %reduce_sum3A_324 [0] : vector<64x512xf32> to vector<512xf32>
    %broadcast_in_dim3A_326 = vector.shape_cast %reduce_sum3A_325 : vector<512xf32> to vector<1x512xf32>
    %convert_element_type3A_327 = arith.fptosi %broadcast_in_dim3A_326 : vector<1x512xf32> to vector<1x512xi32>
    %swap3A_328 = arith.constant 0 : index
    %swap3A_329 = arith.constant 512 : index
    %swap3A_330 = vector.load %arg3[%swap3A_328, %swap3A_329] : memref<2x4096xi32, #tpu.memory_space<vmem>>, vector<1x512xi32>
    tpu.vector_store %arg3[%swap3A_328, %swap3A_329], %convert_element_type3A_327 {strides = array<i32>} : memref<2x4096xi32, #tpu.memory_space<vmem>>, vector<1x512xi32>,
    %dot_general3A_331 = arith.constant dense<0.000000e+00> : vector<64x512xf32>
    %dot_general3A_332 = tpu.matmul %convert_element_type3A_87, %convert_element_type3A_39, %dot_general3A_331 {dimension_numbers = #tpu.dot_dimension_numbers<[1], [0], [0], [1], [0, 0, 1, 1], [], []>, transpose_lhs_hint = false} : vector<64x512xf32>, vector<512x512xf32>, vector<64x512xf32> -> vector<64x512xf32>
    %add3A_333 = vector.broadcast %add3A_76 : vector<64x1xf32> to vector<64x512xf32>
    %add3A_334 = arith.addf %dot_general3A_332, %add3A_333 : vector<64x512xf32>
    %add3A_335 = vector.broadcast %sub3A_298 : vector<64x1xf32> to vector<64x512xf32>
    %add3A_336 = arith.addf %add3A_334, %add3A_335 : vector<64x512xf32>
    %mul3A_337 = arith.mulf %convert_element_type3A_87, %add3A_336 : vector<64x512xf32>
    %reduce_sum3A_338 = arith.constant dense<0.000000e+00> : vector<512xf32>
    %reduce_sum3A_339 = vector.multi_reduction <add>, %mul3A_337, %reduce_sum3A_338 [0] : vector<64x512xf32> to vector<512xf32>
    %broadcast_in_dim3A_340 = vector.shape_cast %reduce_sum3A_339 : vector<512xf32> to vector<1x512xf32>
    %convert_element_type3A_341 = arith.fptosi %broadcast_in_dim3A_340 : vector<1x512xf32> to vector<1x512xi32>
    %swap3A_342 = arith.constant 0 : index
    %swap3A_343 = arith.constant 1024 : index
    %swap3A_344 = vector.load %arg3[%swap3A_342, %swap3A_343] : memref<2x4096xi32, #tpu.memory_space<vmem>>, vector<1x512xi32>
    tpu.vector_store %arg3[%swap3A_342, %swap3A_343], %convert_element_type3A_341 {strides = array<i32>} : memref<2x4096xi32, #tpu.memory_space<vmem>>, vector<1x512xi32>,
    %dot_general3A_345 = arith.constant dense<0.000000e+00> : vector<64x512xf32>
    %dot_general3A_346 = tpu.matmul %convert_element_type3A_102, %convert_element_type3A_39, %dot_general3A_345 {dimension_numbers = #tpu.dot_dimension_numbers<[1], [0], [0], [1], [0, 0, 1, 1], [], []>, transpose_lhs_hint = false} : vector<64x512xf32>, vector<512x512xf32>, vector<64x512xf32> -> vector<64x512xf32>
    %add3A_347 = vector.broadcast %add3A_91 : vector<64x1xf32> to vector<64x512xf32>
    %add3A_348 = arith.addf %dot_general3A_346, %add3A_347 : vector<64x512xf32>
    %add3A_349 = vector.broadcast %sub3A_298 : vector<64x1xf32> to vector<64x512xf32>
    %add3A_350 = arith.addf %add3A_348, %add3A_349 : vector<64x512xf32>
    %mul3A_351 = arith.mulf %convert_element_type3A_102, %add3A_350 : vector<64x512xf32>
    %reduce_sum3A_352 = arith.constant dense<0.000000e+00> : vector<512xf32>
    %reduce_sum3A_353 = vector.multi_reduction <add>, %mul3A_351, %reduce_sum3A_352 [0] : vector<64x512xf32> to vector<512xf32>
    %broadcast_in_dim3A_354 = vector.shape_cast %reduce_sum3A_353 : vector<512xf32> to vector<1x512xf32>
    %convert_element_type3A_355 = arith.fptosi %broadcast_in_dim3A_354 : vector<1x512xf32> to vector<1x512xi32>
    %swap3A_356 = arith.constant 0 : index
    %swap3A_357 = arith.constant 1536 : index
    %swap3A_358 = vector.load %arg3[%swap3A_356, %swap3A_357] : memref<2x4096xi32, #tpu.memory_space<vmem>>, vector<1x512xi32>
    tpu.vector_store %arg3[%swap3A_356, %swap3A_357], %convert_element_type3A_355 {strides = array<i32>} : memref<2x4096xi32, #tpu.memory_space<vmem>>, vector<1x512xi32>,
    %dot_general3A_359 = arith.constant dense<0.000000e+00> : vector<64x512xf32>
    %dot_general3A_360 = tpu.matmul %convert_element_type3A_117, %convert_element_type3A_39, %dot_general3A_359 {dimension_numbers = #tpu.dot_dimension_numbers<[1], [0], [0], [1], [0, 0, 1, 1], [], []>, transpose_lhs_hint = false} : vector<64x512xf32>, vector<512x512xf32>, vector<64x512xf32> -> vector<64x512xf32>
    %add3A_361 = vector.broadcast %add3A_106 : vector<64x1xf32> to vector<64x512xf32>
    %add3A_362 = arith.addf %dot_general3A_360, %add3A_361 : vector<64x512xf32>
    %add3A_363 = vector.broadcast %sub3A_298 : vector<64x1xf32> to vector<64x512xf32>
    %add3A_364 = arith.addf %add3A_362, %add3A_363 : vector<64x512xf32>
    %mul3A_365 = arith.mulf %convert_element_type3A_117, %add3A_364 : vector<64x512xf32>
    %reduce_sum3A_366 = arith.constant dense<0.000000e+00> : vector<512xf32>
    %reduce_sum3A_367 = vector.multi_reduction <add>, %mul3A_365, %reduce_sum3A_366 [0] : vector<64x512xf32> to vector<512xf32>
    %broadcast_in_dim3A_368 = vector.shape_cast %reduce_sum3A_367 : vector<512xf32> to vector<1x512xf32>
    %convert_element_type3A_369 = arith.fptosi %broadcast_in_dim3A_368 : vector<1x512xf32> to vector<1x512xi32>
    %swap3A_370 = arith.constant 0 : index
    %swap3A_371 = arith.constant 2048 : index
    %swap3A_372 = vector.load %arg3[%swap3A_370, %swap3A_371] : memref<2x4096xi32, #tpu.memory_space<vmem>>, vector<1x512xi32>
    tpu.vector_store %arg3[%swap3A_370, %swap3A_371], %convert_element_type3A_369 {strides = array<i32>} : memref<2x4096xi32, #tpu.memory_space<vmem>>, vector<1x512xi32>,
    %dot_general3A_373 = arith.constant dense<0.000000e+00> : vector<64x512xf32>
    %dot_general3A_374 = tpu.matmul %convert_element_type3A_132, %convert_element_type3A_39, %dot_general3A_373 {dimension_numbers = #tpu.dot_dimension_numbers<[1], [0], [0], [1], [0, 0, 1, 1], [], []>, transpose_lhs_hint = false} : vector<64x512xf32>, vector<512x512xf32>, vector<64x512xf32> -> vector<64x512xf32>
    %add3A_375 = vector.broadcast %add3A_121 : vector<64x1xf32> to vector<64x512xf32>
    %add3A_376 = arith.addf %dot_general3A_374, %add3A_375 : vector<64x512xf32>
    %add3A_377 = vector.broadcast %sub3A_298 : vector<64x1xf32> to vector<64x512xf32>
    %add3A_378 = arith.addf %add3A_376, %add3A_377 : vector<64x512xf32>
    %mul3A_379 = arith.mulf %convert_element_type3A_132, %add3A_378 : vector<64x512xf32>
    %reduce_sum3A_380 = arith.constant dense<0.000000e+00> : vector<512xf32>
    %reduce_sum3A_381 = vector.multi_reduction <add>, %mul3A_379, %reduce_sum3A_380 [0] : vector<64x512xf32> to vector<512xf32>
    %broadcast_in_dim3A_382 = vector.shape_cast %reduce_sum3A_381 : vector<512xf32> to vector<1x512xf32>
    %convert_element_type3A_383 = arith.fptosi %broadcast_in_dim3A_382 : vector<1x512xf32> to vector<1x512xi32>
    %swap3A_384 = arith.constant 0 : index
    %swap3A_385 = arith.constant 2560 : index
    %swap3A_386 = vector.load %arg3[%swap3A_384, %swap3A_385] : memref<2x4096xi32, #tpu.memory_space<vmem>>, vector<1x512xi32>
    tpu.vector_store %arg3[%swap3A_384, %swap3A_385], %convert_element_type3A_383 {strides = array<i32>} : memref<2x4096xi32, #tpu.memory_space<vmem>>, vector<1x512xi32>,
    %dot_general3A_387 = arith.constant dense<0.000000e+00> : vector<64x512xf32>
    %dot_general3A_388 = tpu.matmul %convert_element_type3A_147, %convert_element_type3A_39, %dot_general3A_387 {dimension_numbers = #tpu.dot_dimension_numbers<[1], [0], [0], [1], [0, 0, 1, 1], [], []>, transpose_lhs_hint = false} : vector<64x512xf32>, vector<512x512xf32>, vector<64x512xf32> -> vector<64x512xf32>
    %add3A_389 = vector.broadcast %add3A_136 : vector<64x1xf32> to vector<64x512xf32>
    %add3A_390 = arith.addf %dot_general3A_388, %add3A_389 : vector<64x512xf32>
    %add3A_391 = vector.broadcast %sub3A_298 : vector<64x1xf32> to vector<64x512xf32>
    %add3A_392 = arith.addf %add3A_390, %add3A_391 : vector<64x512xf32>
    %mul3A_393 = arith.mulf %convert_element_type3A_147, %add3A_392 : vector<64x512xf32>
    %reduce_sum3A_394 = arith.constant dense<0.000000e+00> : vector<512xf32>
    %reduce_sum3A_395 = vector.multi_reduction <add>, %mul3A_393, %reduce_sum3A_394 [0] : vector<64x512xf32> to vector<512xf32>
    %broadcast_in_dim3A_396 = vector.shape_cast %reduce_sum3A_395 : vector<512xf32> to vector<1x512xf32>
    %convert_element_type3A_397 = arith.fptosi %broadcast_in_dim3A_396 : vector<1x512xf32> to vector<1x512xi32>
    %swap3A_398 = arith.constant 0 : index
    %swap3A_399 = arith.constant 3072 : index
    %swap3A_400 = vector.load %arg3[%swap3A_398, %swap3A_399] : memref<2x4096xi32, #tpu.memory_space<vmem>>, vector<1x512xi32>
    tpu.vector_store %arg3[%swap3A_398, %swap3A_399], %convert_element_type3A_397 {strides = array<i32>} : memref<2x4096xi32, #tpu.memory_space<vmem>>, vector<1x512xi32>,
    %dot_general3A_401 = arith.constant dense<0.000000e+00> : vector<64x512xf32>
    %dot_general3A_402 = tpu.matmul %convert_element_type3A_162, %convert_element_type3A_39, %dot_general3A_401 {dimension_numbers = #tpu.dot_dimension_numbers<[1], [0], [0], [1], [0, 0, 1, 1], [], []>, transpose_lhs_hint = false} : vector<64x512xf32>, vector<512x512xf32>, vector<64x512xf32> -> vector<64x512xf32>
    %add3A_403 = vector.broadcast %add3A_151 : vector<64x1xf32> to vector<64x512xf32>
    %add3A_404 = arith.addf %dot_general3A_402, %add3A_403 : vector<64x512xf32>
    %add3A_405 = vector.broadcast %sub3A_298 : vector<64x1xf32> to vector<64x512xf32>
    %add3A_406 = arith.addf %add3A_404, %add3A_405 : vector<64x512xf32>
    %mul3A_407 = arith.mulf %convert_element_type3A_162, %add3A_406 : vector<64x512xf32>
    %reduce_sum3A_408 = arith.constant dense<0.000000e+00> : vector<512xf32>
    %reduce_sum3A_409 = vector.multi_reduction <add>, %mul3A_407, %reduce_sum3A_408 [0] : vector<64x512xf32> to vector<512xf32>
    %broadcast_in_dim3A_410 = vector.shape_cast %reduce_sum3A_409 : vector<512xf32> to vector<1x512xf32>
    %convert_element_type3A_411 = arith.fptosi %broadcast_in_dim3A_410 : vector<1x512xf32> to vector<1x512xi32>
    %swap3A_412 = arith.constant 0 : index
    %swap3A_413 = arith.constant 3584 : index
    %swap3A_414 = vector.load %arg3[%swap3A_412, %swap3A_413] : memref<2x4096xi32, #tpu.memory_space<vmem>>, vector<1x512xi32>
    tpu.vector_store %arg3[%swap3A_412, %swap3A_413], %convert_element_type3A_411 {strides = array<i32>} : memref<2x4096xi32, #tpu.memory_space<vmem>>, vector<1x512xi32>,
    %dot_general3A_415 = arith.constant dense<0.000000e+00> : vector<64x512xf32>
    %dot_general3A_416 = tpu.matmul %convert_element_type3A_177, %convert_element_type3A_39, %dot_general3A_415 {dimension_numbers = #tpu.dot_dimension_numbers<[1], [0], [0], [1], [0, 0, 1, 1], [], []>, transpose_lhs_hint = false} : vector<64x512xf32>, vector<512x512xf32>, vector<64x512xf32> -> vector<64x512xf32>
    %add3A_417 = vector.broadcast %add3A_166 : vector<64x1xf32> to vector<64x512xf32>
    %add3A_418 = arith.addf %dot_general3A_416, %add3A_417 : vector<64x512xf32>
    %add3A_419 = vector.broadcast %sub3A_298 : vector<64x1xf32> to vector<64x512xf32>
    %add3A_420 = arith.addf %add3A_418, %add3A_419 : vector<64x512xf32>
    %mul3A_421 = arith.mulf %convert_element_type3A_177, %add3A_420 : vector<64x512xf32>
    %reduce_sum3A_422 = arith.constant dense<0.000000e+00> : vector<512xf32>
    %reduce_sum3A_423 = vector.multi_reduction <add>, %mul3A_421, %reduce_sum3A_422 [0] : vector<64x512xf32> to vector<512xf32>
    %broadcast_in_dim3A_424 = vector.shape_cast %reduce_sum3A_423 : vector<512xf32> to vector<1x512xf32>
    %convert_element_type3A_425 = arith.fptosi %broadcast_in_dim3A_424 : vector<1x512xf32> to vector<1x512xi32>
    %swap3A_426 = arith.constant 1 : index
    %swap3A_427 = arith.constant 0 : index
    %swap3A_428 = vector.load %arg3[%swap3A_426, %swap3A_427] : memref<2x4096xi32, #tpu.memory_space<vmem>>, vector<1x512xi32>
    tpu.vector_store %arg3[%swap3A_426, %swap3A_427], %convert_element_type3A_425 {strides = array<i32>} : memref<2x4096xi32, #tpu.memory_space<vmem>>, vector<1x512xi32>,
    %dot_general3A_429 = arith.constant dense<0.000000e+00> : vector<64x512xf32>
    %dot_general3A_430 = tpu.matmul %convert_element_type3A_192, %convert_element_type3A_39, %dot_general3A_429 {dimension_numbers = #tpu.dot_dimension_numbers<[1], [0], [0], [1], [0, 0, 1, 1], [], []>, transpose_lhs_hint = false} : vector<64x512xf32>, vector<512x512xf32>, vector<64x512xf32> -> vector<64x512xf32>
    %add3A_431 = vector.broadcast %add3A_181 : vector<64x1xf32> to vector<64x512xf32>
    %add3A_432 = arith.addf %dot_general3A_430, %add3A_431 : vector<64x512xf32>
    %add3A_433 = vector.broadcast %sub3A_298 : vector<64x1xf32> to vector<64x512xf32>
    %add3A_434 = arith.addf %add3A_432, %add3A_433 : vector<64x512xf32>
    %mul3A_435 = arith.mulf %convert_element_type3A_192, %add3A_434 : vector<64x512xf32>
    %reduce_sum3A_436 = arith.constant dense<0.000000e+00> : vector<512xf32>
    %reduce_sum3A_437 = vector.multi_reduction <add>, %mul3A_435, %reduce_sum3A_436 [0] : vector<64x512xf32> to vector<512xf32>
    %broadcast_in_dim3A_438 = vector.shape_cast %reduce_sum3A_437 : vector<512xf32> to vector<1x512xf32>
    %convert_element_type3A_439 = arith.fptosi %broadcast_in_dim3A_438 : vector<1x512xf32> to vector<1x512xi32>
    %swap3A_440 = arith.constant 1 : index
    %swap3A_441 = arith.constant 512 : index
    %swap3A_442 = vector.load %arg3[%swap3A_440, %swap3A_441] : memref<2x4096xi32, #tpu.memory_space<vmem>>, vector<1x512xi32>
    tpu.vector_store %arg3[%swap3A_440, %swap3A_441], %convert_element_type3A_439 {strides = array<i32>} : memref<2x4096xi32, #tpu.memory_space<vmem>>, vector<1x512xi32>,
    %dot_general3A_443 = arith.constant dense<0.000000e+00> : vector<64x512xf32>
    %dot_general3A_444 = tpu.matmul %convert_element_type3A_207, %convert_element_type3A_39, %dot_general3A_443 {dimension_numbers = #tpu.dot_dimension_numbers<[1], [0], [0], [1], [0, 0, 1, 1], [], []>, transpose_lhs_hint = false} : vector<64x512xf32>, vector<512x512xf32>, vector<64x512xf32> -> vector<64x512xf32>
    %add3A_445 = vector.broadcast %add3A_196 : vector<64x1xf32> to vector<64x512xf32>
    %add3A_446 = arith.addf %dot_general3A_444, %add3A_445 : vector<64x512xf32>
    %add3A_447 = vector.broadcast %sub3A_298 : vector<64x1xf32> to vector<64x512xf32>
    %add3A_448 = arith.addf %add3A_446, %add3A_447 : vector<64x512xf32>
    %mul3A_449 = arith.mulf %convert_element_type3A_207, %add3A_448 : vector<64x512xf32>
    %reduce_sum3A_450 = arith.constant dense<0.000000e+00> : vector<512xf32>
    %reduce_sum3A_451 = vector.multi_reduction <add>, %mul3A_449, %reduce_sum3A_450 [0] : vector<64x512xf32> to vector<512xf32>
    %broadcast_in_dim3A_452 = vector.shape_cast %reduce_sum3A_451 : vector<512xf32> to vector<1x512xf32>
    %convert_element_type3A_453 = arith.fptosi %broadcast_in_dim3A_452 : vector<1x512xf32> to vector<1x512xi32>
    %swap3A_454 = arith.constant 1 : index
    %swap3A_455 = arith.constant 1024 : index
    %swap3A_456 = vector.load %arg3[%swap3A_454, %swap3A_455] : memref<2x4096xi32, #tpu.memory_space<vmem>>, vector<1x512xi32>
    tpu.vector_store %arg3[%swap3A_454, %swap3A_455], %convert_element_type3A_453 {strides = array<i32>} : memref<2x4096xi32, #tpu.memory_space<vmem>>, vector<1x512xi32>,
    %dot_general3A_457 = arith.constant dense<0.000000e+00> : vector<64x512xf32>
    %dot_general3A_458 = tpu.matmul %convert_element_type3A_222, %convert_element_type3A_39, %dot_general3A_457 {dimension_numbers = #tpu.dot_dimension_numbers<[1], [0], [0], [1], [0, 0, 1, 1], [], []>, transpose_lhs_hint = false} : vector<64x512xf32>, vector<512x512xf32>, vector<64x512xf32> -> vector<64x512xf32>
    %add3A_459 = vector.broadcast %add3A_211 : vector<64x1xf32> to vector<64x512xf32>
    %add3A_460 = arith.addf %dot_general3A_458, %add3A_459 : vector<64x512xf32>
    %add3A_461 = vector.broadcast %sub3A_298 : vector<64x1xf32> to vector<64x512xf32>
    %add3A_462 = arith.addf %add3A_460, %add3A_461 : vector<64x512xf32>
    %mul3A_463 = arith.mulf %convert_element_type3A_222, %add3A_462 : vector<64x512xf32>
    %reduce_sum3A_464 = arith.constant dense<0.000000e+00> : vector<512xf32>
    %reduce_sum3A_465 = vector.multi_reduction <add>, %mul3A_463, %reduce_sum3A_464 [0] : vector<64x512xf32> to vector<512xf32>
    %broadcast_in_dim3A_466 = vector.shape_cast %reduce_sum3A_465 : vector<512xf32> to vector<1x512xf32>
    %convert_element_type3A_467 = arith.fptosi %broadcast_in_dim3A_466 : vector<1x512xf32> to vector<1x512xi32>
    %swap3A_468 = arith.constant 1 : index
    %swap3A_469 = arith.constant 1536 : index
    %swap3A_470 = vector.load %arg3[%swap3A_468, %swap3A_469] : memref<2x4096xi32, #tpu.memory_space<vmem>>, vector<1x512xi32>
    tpu.vector_store %arg3[%swap3A_468, %swap3A_469], %convert_element_type3A_467 {strides = array<i32>} : memref<2x4096xi32, #tpu.memory_space<vmem>>, vector<1x512xi32>,
    %dot_general3A_471 = arith.constant dense<0.000000e+00> : vector<64x512xf32>
    %dot_general3A_472 = tpu.matmul %convert_element_type3A_237, %convert_element_type3A_39, %dot_general3A_471 {dimension_numbers = #tpu.dot_dimension_numbers<[1], [0], [0], [1], [0, 0, 1, 1], [], []>, transpose_lhs_hint = false} : vector<64x512xf32>, vector<512x512xf32>, vector<64x512xf32> -> vector<64x512xf32>
    %add3A_473 = vector.broadcast %add3A_226 : vector<64x1xf32> to vector<64x512xf32>
    %add3A_474 = arith.addf %dot_general3A_472, %add3A_473 : vector<64x512xf32>
    %add3A_475 = vector.broadcast %sub3A_298 : vector<64x1xf32> to vector<64x512xf32>
    %add3A_476 = arith.addf %add3A_474, %add3A_475 : vector<64x512xf32>
    %mul3A_477 = arith.mulf %convert_element_type3A_237, %add3A_476 : vector<64x512xf32>
    %reduce_sum3A_478 = arith.constant dense<0.000000e+00> : vector<512xf32>
    %reduce_sum3A_479 = vector.multi_reduction <add>, %mul3A_477, %reduce_sum3A_478 [0] : vector<64x512xf32> to vector<512xf32>
    %broadcast_in_dim3A_480 = vector.shape_cast %reduce_sum3A_479 : vector<512xf32> to vector<1x512xf32>
    %convert_element_type3A_481 = arith.fptosi %broadcast_in_dim3A_480 : vector<1x512xf32> to vector<1x512xi32>
    %swap3A_482 = arith.constant 1 : index
    %swap3A_483 = arith.constant 2048 : index
    %swap3A_484 = vector.load %arg3[%swap3A_482, %swap3A_483] : memref<2x4096xi32, #tpu.memory_space<vmem>>, vector<1x512xi32>
    tpu.vector_store %arg3[%swap3A_482, %swap3A_483], %convert_element_type3A_481 {strides = array<i32>} : memref<2x4096xi32, #tpu.memory_space<vmem>>, vector<1x512xi32>,
    %dot_general3A_485 = arith.constant dense<0.000000e+00> : vector<64x512xf32>
    %dot_general3A_486 = tpu.matmul %convert_element_type3A_252, %convert_element_type3A_39, %dot_general3A_485 {dimension_numbers = #tpu.dot_dimension_numbers<[1], [0], [0], [1], [0, 0, 1, 1], [], []>, transpose_lhs_hint = false} : vector<64x512xf32>, vector<512x512xf32>, vector<64x512xf32> -> vector<64x512xf32>
    %add3A_487 = vector.broadcast %add3A_241 : vector<64x1xf32> to vector<64x512xf32>
    %add3A_488 = arith.addf %dot_general3A_486, %add3A_487 : vector<64x512xf32>
    %add3A_489 = vector.broadcast %sub3A_298 : vector<64x1xf32> to vector<64x512xf32>
    %add3A_490 = arith.addf %add3A_488, %add3A_489 : vector<64x512xf32>
    %mul3A_491 = arith.mulf %convert_element_type3A_252, %add3A_490 : vector<64x512xf32>
    %reduce_sum3A_492 = arith.constant dense<0.000000e+00> : vector<512xf32>
    %reduce_sum3A_493 = vector.multi_reduction <add>, %mul3A_491, %reduce_sum3A_492 [0] : vector<64x512xf32> to vector<512xf32>
    %broadcast_in_dim3A_494 = vector.shape_cast %reduce_sum3A_493 : vector<512xf32> to vector<1x512xf32>
    %convert_element_type3A_495 = arith.fptosi %broadcast_in_dim3A_494 : vector<1x512xf32> to vector<1x512xi32>
    %swap3A_496 = arith.constant 1 : index
    %swap3A_497 = arith.constant 2560 : index
    %swap3A_498 = vector.load %arg3[%swap3A_496, %swap3A_497] : memref<2x4096xi32, #tpu.memory_space<vmem>>, vector<1x512xi32>
    tpu.vector_store %arg3[%swap3A_496, %swap3A_497], %convert_element_type3A_495 {strides = array<i32>} : memref<2x4096xi32, #tpu.memory_space<vmem>>, vector<1x512xi32>,
    %dot_general3A_499 = arith.constant dense<0.000000e+00> : vector<64x512xf32>
    %dot_general3A_500 = tpu.matmul %convert_element_type3A_267, %convert_element_type3A_39, %dot_general3A_499 {dimension_numbers = #tpu.dot_dimension_numbers<[1], [0], [0], [1], [0, 0, 1, 1], [], []>, transpose_lhs_hint = false} : vector<64x512xf32>, vector<512x512xf32>, vector<64x512xf32> -> vector<64x512xf32>
    %add3A_501 = vector.broadcast %add3A_256 : vector<64x1xf32> to vector<64x512xf32>
    %add3A_502 = arith.addf %dot_general3A_500, %add3A_501 : vector<64x512xf32>
    %add3A_503 = vector.broadcast %sub3A_298 : vector<64x1xf32> to vector<64x512xf32>
    %add3A_504 = arith.addf %add3A_502, %add3A_503 : vector<64x512xf32>
    %mul3A_505 = arith.mulf %convert_element_type3A_267, %add3A_504 : vector<64x512xf32>
    %reduce_sum3A_506 = arith.constant dense<0.000000e+00> : vector<512xf32>
    %reduce_sum3A_507 = vector.multi_reduction <add>, %mul3A_505, %reduce_sum3A_506 [0] : vector<64x512xf32> to vector<512xf32>
    %broadcast_in_dim3A_508 = vector.shape_cast %reduce_sum3A_507 : vector<512xf32> to vector<1x512xf32>
    %convert_element_type3A_509 = arith.fptosi %broadcast_in_dim3A_508 : vector<1x512xf32> to vector<1x512xi32>
    %swap3A_510 = arith.constant 1 : index
    %swap3A_511 = arith.constant 3072 : index
    %swap3A_512 = vector.load %arg3[%swap3A_510, %swap3A_511] : memref<2x4096xi32, #tpu.memory_space<vmem>>, vector<1x512xi32>
    tpu.vector_store %arg3[%swap3A_510, %swap3A_511], %convert_element_type3A_509 {strides = array<i32>} : memref<2x4096xi32, #tpu.memory_space<vmem>>, vector<1x512xi32>,
    %dot_general3A_513 = arith.constant dense<0.000000e+00> : vector<64x512xf32>
    %dot_general3A_514 = tpu.matmul %convert_element_type3A_282, %convert_element_type3A_39, %dot_general3A_513 {dimension_numbers = #tpu.dot_dimension_numbers<[1], [0], [0], [1], [0, 0, 1, 1], [], []>, transpose_lhs_hint = false} : vector<64x512xf32>, vector<512x512xf32>, vector<64x512xf32> -> vector<64x512xf32>
    %add3A_515 = vector.broadcast %add3A_271 : vector<64x1xf32> to vector<64x512xf32>
    %add3A_516 = arith.addf %dot_general3A_514, %add3A_515 : vector<64x512xf32>
    %add3A_517 = vector.broadcast %sub3A_298 : vector<64x1xf32> to vector<64x512xf32>
    %add3A_518 = arith.addf %add3A_516, %add3A_517 : vector<64x512xf32>
    %mul3A_519 = arith.mulf %convert_element_type3A_282, %add3A_518 : vector<64x512xf32>
    %reduce_sum3A_520 = arith.constant dense<0.000000e+00> : vector<512xf32>
    %reduce_sum3A_521 = vector.multi_reduction <add>, %mul3A_519, %reduce_sum3A_520 [0] : vector<64x512xf32> to vector<512xf32>
    %broadcast_in_dim3A_522 = vector.shape_cast %reduce_sum3A_521 : vector<512xf32> to vector<1x512xf32>
    %convert_element_type3A_523 = arith.fptosi %broadcast_in_dim3A_522 : vector<1x512xf32> to vector<1x512xi32>
    %swap3A_524 = arith.constant 1 : index
    %swap3A_525 = arith.constant 3584 : index
    %swap3A_526 = vector.load %arg3[%swap3A_524, %swap3A_525] : memref<2x4096xi32, #tpu.memory_space<vmem>>, vector<1x512xi32>
    tpu.vector_store %arg3[%swap3A_524, %swap3A_525], %convert_element_type3A_523 {strides = array<i32>} : memref<2x4096xi32, #tpu.memory_space<vmem>>, vector<1x512xi32>,
    %iota3A_527 = tpu.iota {dimensions = array<i32: 1>} : vector<1x128xi32>
    %convert_element_type3A_528 = arith.sitofp %iota3A_527 : vector<1x128xi32> to vector<1x128xf32>
    %mul3A_529 = arith.constant 1.280000e+02 : f32
    %mul3A_530 = vector.broadcast %mul3A_529 : f32 to vector<1x128xf32>
    %mul3A_531 = arith.mulf %convert_element_type3A_528, %mul3A_530 : vector<1x128xf32>
    %le3A = vector.broadcast %dot_general3A_297 : vector<64x1xf32> to vector<64x128xf32>
    %le3A_532 = vector.broadcast %mul3A_531 : vector<1x128xf32> to vector<64x128xf32>
    %le3A_533 = arith.cmpf ole, %le3A, %le3A_532 : vector<64x128xf32>
    %convert_element_type3A_534 = arith.extui %le3A_533 : vector<64x128xi1> to vector<64x128xi32>
    %convert_element_type3A_535 = arith.sitofp %convert_element_type3A_534 : vector<64x128xi32> to vector<64x128xf32>
    %reduce_sum3A_536 = arith.constant dense<0.000000e+00> : vector<128xf32>
    %reduce_sum3A_537 = vector.multi_reduction <add>, %convert_element_type3A_535, %reduce_sum3A_536 [0] : vector<64x128xf32> to vector<128xf32>
    %broadcast_in_dim3A_538 = vector.shape_cast %reduce_sum3A_537 : vector<128xf32> to vector<1x128xf32>
    %sub3A_539 = arith.constant 1.000000e+00 : f32
    %sub3A_540 = vector.broadcast %sub3A_539 : f32 to vector<1x1xf32>
    %sub3A_541 = arith.subf %mul3A_302, %sub3A_540 : vector<1x1xf32>
    %eq3A_542 = vector.broadcast %sub3A_541 : vector<1x1xf32> to vector<1x128xf32>
    %eq3A_543 = arith.cmpf oeq, %convert_element_type3A_528, %eq3A_542 : vector<1x128xf32>
    %convert_element_type3A_544 = arith.extui %eq3A_543 : vector<1x128xi1> to vector<1x128xi32>
    %convert_element_type3A_545 = arith.sitofp %convert_element_type3A_544 : vector<1x128xi32> to vector<1x128xf32>
    %mul3A_546 = arith.mulf %broadcast_in_dim3A_538, %convert_element_type3A_545 : vector<1x128xf32>
    %reduce_sum3A_547 = arith.constant dense<0.000000e+00> : vector<1xf32>
    %reduce_sum3A_548 = vector.multi_reduction <add>, %mul3A_546, %reduce_sum3A_547 [1] : vector<1x128xf32> to vector<1xf32>
    %broadcast_in_dim3A_549 = vector.shape_cast %reduce_sum3A_548 : vector<1xf32> to vector<1x1xf32>
    %lt3A_550 = vector.broadcast %slice3A_299 : vector<1x1xf32> to vector<1x128xf32>
    %lt3A_551 = arith.cmpf olt, %mul3A_531, %lt3A_550 : vector<1x128xf32>
    %broadcast_in_dim3A_552 = vector.shape_cast %broadcast_in_dim3A_549 : vector<1x1xf32> to vector<1x1xf32>
    %broadcast_in_dim3A_553 = vector.broadcast %broadcast_in_dim3A_552 : vector<1x1xf32> to vector<1x128xf32>
    %select_n3A_554 = arith.select %lt3A_551, %broadcast_in_dim3A_538, %broadcast_in_dim3A_553 : vector<1x128xi1>, vector<1x128xf32>
    %convert_element_type3A_555 = arith.fptosi %select_n3A_554 : vector<1x128xf32> to vector<1x128xi32>
    %swap3A_556 = arith.constant 0 : index
    %swap3A_557 = arith.constant 0 : index
    %swap3A_558 = vector.load %arg4[%swap3A_556, %swap3A_557] : memref<1x128xi32, #tpu.memory_space<vmem>>, vector<1x128xi32>
    tpu.vector_store %arg4[%swap3A_556, %swap3A_557], %convert_element_type3A_555 {strides = array<i32>} : memref<1x128xi32, #tpu.memory_space<vmem>>, vector<1x128xi32>,
    %convert_element_type3A_559 = arith.fptosi %mul3A_302 : vector<1x1xf32> to vector<1x1xi32>
    %swap3A_560 = arith.constant 0 : index
    %swap3A_561 = arith.constant 0 : index
    %swap3A_562 = vector.load %arg5[%swap3A_560, %swap3A_561] : memref<1x1xi32, #tpu.memory_space<vmem>>, vector<1x1xi32>
    tpu.vector_store %arg5[%swap3A_560, %swap3A_561], %convert_element_type3A_559 {strides = array<i32>} : memref<1x1xi32, #tpu.memory_space<vmem>>, vector<1x1xi32>,
    return
  }
}

module attributes {stable_mosaic.version = 14 : i64} {
  func.func @_combine_body(%arg0: i32, %arg1: memref<512x2xf32, #tpu.memory_space<vmem>>, %arg2: memref<512x768xf32, #tpu.memory_space<vmem>>, %arg3: memref<512x768xf32, #tpu.memory_space<vmem>>, %arg4: memref<512x768xf32, #tpu.memory_space<vmem>>) attributes {dimension_semantics = [#tpu.dimension_semantics<arbitrary>], iteration_bounds = array<i64: 8>, scalar_prefetch = 0 : i64, scratch_operands = 0 : i64, tpu.core_type = #tpu.core_type<tc>, window_params = [{transform_indices = @transform_0, window_bounds = array<i64: 512, 2>}, {transform_indices = @transform_1, window_bounds = array<i64: 512, 768>}, {transform_indices = @transform_2, window_bounds = array<i64: 512, 768>}, {transform_indices = @transform_3, window_bounds = array<i64: 512, 768>}]} {
    %get3A = arith.constant 0 : index
    %get3A_0 = arith.constant 0 : index
    %get3A_1 = vector.load %arg1[%get3A, %get3A_0] : memref<512x2xf32, #tpu.memory_space<vmem>>, vector<512x1xf32>
    %get3A_2 = arith.constant 0 : index
    %get3A_3 = arith.constant 0 : index
    %get3A_4 = vector.load %arg2[%get3A_2, %get3A_3] : memref<512x768xf32, #tpu.memory_space<vmem>>, vector<512x768xf32>
    %mul3A = vector.broadcast %get3A_1 : vector<512x1xf32> to vector<512x768xf32>
    %mul3A_5 = arith.mulf %mul3A, %get3A_4 : vector<512x768xf32>
    %get3A_6 = arith.constant 0 : index
    %get3A_7 = arith.constant 1 : index
    %get3A_8 = vector.load %arg1[%get3A_6, %get3A_7] : memref<512x2xf32, #tpu.memory_space<vmem>>, vector<512x1xf32>
    %get3A_9 = arith.constant 0 : index
    %get3A_10 = arith.constant 0 : index
    %get3A_11 = vector.load %arg3[%get3A_9, %get3A_10] : memref<512x768xf32, #tpu.memory_space<vmem>>, vector<512x768xf32>
    %mul3A_12 = vector.broadcast %get3A_8 : vector<512x1xf32> to vector<512x768xf32>
    %mul3A_13 = arith.mulf %mul3A_12, %get3A_11 : vector<512x768xf32>
    %add3A = arith.addf %mul3A_5, %mul3A_13 : vector<512x768xf32>
    %swap3A = arith.constant 0 : index
    %swap3A_14 = arith.constant 0 : index
    %swap3A_15 = vector.load %arg4[%swap3A, %swap3A_14] : memref<512x768xf32, #tpu.memory_space<vmem>>, vector<512x768xf32>
    tpu.vector_store %arg4[%swap3A, %swap3A_14], %add3A {strides = array<i32>} : memref<512x768xf32, #tpu.memory_space<vmem>>, vector<512x768xf32>,
    return
  }
  func.func @transform_0(%arg0: i32) -> (i32, i32) {
    %c0_i32 = arith.constant 0 : i32
    %c0_i32_0 = arith.constant 0 : i32
    return %arg0, %c0_i32 : i32, i32
  }
  func.func @transform_1(%arg0: i32) -> (i32, i32) {
    %c0_i32 = arith.constant 0 : i32
    %c0_i32_0 = arith.constant 0 : i32
    return %arg0, %c0_i32 : i32, i32
  }
  func.func @transform_2(%arg0: i32) -> (i32, i32) {
    %add3A = arith.constant 8 : i32
    %add3A_0 = arith.addi %add3A, %arg0 : i32
    %c0_i32 = arith.constant 0 : i32
    %c0_i32_1 = arith.constant 0 : i32
    return %add3A_0, %c0_i32 : i32, i32
  }
  func.func @transform_3(%arg0: i32) -> (i32, i32) {
    %c0_i32 = arith.constant 0 : i32
    %c0_i32_0 = arith.constant 0 : i32
    return %arg0, %c0_i32 : i32, i32
  }
}

</mosaic_0001>

<sc_bundles>
// kernel: kernel.10.cloned.1.call-start
scs
__scs_entry_jumppad:
0x0: {  	(pc) =	sbr.rel $0x88, $3  }
0x1: {  	(tag) =	ssettag $0x0;
	lr =	simm.s32 $0x1  }
0x2: {  	[smem:$0x3F9C] =	sst lr;
	_ =	strace $0xD0000000  }
0x3: {  	_ = 	snop  }
0x4: {  	_ = 	snop  }
0x5: {  	_ = 	snop  }
0x6: {  	_ = 	snop  }
0x7: {  	_ = 	snop  }
__scs_overlays_trampoline_lowered:
0x8: {  	[smem:$0x3FAB] =	sst s0  }
0x9: {  	[smem:$0x3FAC] =	sst s1  }
0xa: {  	[smem:$0x3FAD] =	sst s2  }
0xb: {  	[smem:$0x3FAE] =	sst s3  }
0xc: {  	[smem:$0x3FAF] =	sst s4  }
0xd: {  	[smem:$0x3FB0] =	sst s5  }
0xe: {  	[smem:$0x3FB1] =	sst s6  }
0xf: {  	[smem:$0x3FB2] =	sst s7  }
0x10: {  	[smem:$0x3FB3] =	sst s8  }
0x11: {  	[smem:$0x3FB4] =	sst s9;
	s0 =	simm.s32 @!p0 $0x0  }
0x12: {  	s1 =	sld [smem:$0x3F9A];
	s0 =	simm.s32 @p0 $0x1  }
0x13: {  	[smem:$0x3FB5] =	sst s0;
	s0 =	simm.s32 @!p1 $0x0  }
0x14: {  	s2 =	sld [smem:$0x3F99];
	s0 =	simm.s32 @p1 $0x1  }
0x15: {  	[smem:$0x3FB6] =	sst s0;
	s0 =	simm.s32 @!p2 $0x0  }
0x16: {  	s3 =	sld [smem:$0x3FDB];
	s0 =	simm.s32 @p2 $0x1  }
0x17: {  	s4 =	simm.s32 $0x1BF5;
	[smem:$0x3FB8] =	sst s0  }
0x18: {  	s0 =	sld [smem:$0x3F9B];
	_ =	swait.ge [sflag:s4], $0x0  }
0x19: {  	s7 =	sld [smem:$0x3F9C]  }
0x1a: {  	s8 =	sadd.s32 $0xFFFFE003, lr  }
0x1b: {  	s9 =	sadd.s32 $0xFFFFFEF7, lr;
	s5 =	simm.s32 $0xFFFFFFFF;
	p2 =	slt.u32 s8, $0xFFFFF086  }
0x1c: {  	p1 =	slt.u32 s9, $0xF7A;
	s5 =	simm.s32 @!p2 $0x0  }
0x1d: {  	s5 =	simm.s32 @p1 $0x1;
	p0 =	seq.s32 s7, s2  }
0x1e: {  	s7 =	smul.u32 @!p0 $0xF7A, s2;
	p2 =	seq.s32 @!p0 s5, $0x0  }
0x1f: {  	s9 =	smul.u32 $0xF7A, s1;
	s8 =	simm.s32 @!p0 $0x1BF5;
	p2 =	por !p2, p0  }
0x20: {  	[sflag:s8] =	ssyncset.s32 @!p0 $0xFFFFF086;
	s6 =	sadd.s32 @!p0 s3, s7;
	s7 =	simm.s32 @!p0 $0x108  }
0x21: {  	s3 =	sadd.s32 s3, s9;
	s6 =	sadd.s32 @!p0 $0x88, s6;
	s7 =	simm.s32 @p2 $0x1082  }
0x22: {  	[simem:s7], [sflag:s8] =	dma.local @!p0 [hbm:s6], $0xF7A  }
0x23: {  	s9 =	sor.u32 $0xD0000000, s2;
	s6 =	simm.s32 $0x108;
	_ =	swait.ge @!p0 [sflag:s8], $0x0  }
0x24: {  	s3 =	sadd.s32 $0x88, s3;
	s6 =	simm.s32 @!p1 $0x1082;
	[sflag:s4] =	ssyncset.s32 $0xFFFFF086  }
0x25: {  	[simem:s6], [sflag:s4] =	dma.local [hbm:s3], $0xF7A  }
0x26: {  	[smem:$0x3F9C] =	sst s1;
	(tag) =	ssettag s2;
	_ =	strace s9  }
0x27: {  	s1 =	sld [smem:$0x3FAC]  }
0x28: {  	s2 =	sld [smem:$0x3FAD]  }
0x29: {  	s4 =	sld [smem:$0x3FAF]  }
0x2a: {  	p0 =	seq.s32 s5, $0x0;
	s5 =	sld [smem:$0x3FB0]  }
0x2b: {  	s6 =	sld [smem:$0x3FB1]  }
0x2c: {  	s7 =	sld [smem:$0x3FB2]  }
0x2d: {  	s3 =	simm.s32 $0x108;
	s8 =	sld [smem:$0x3FB3]  }
0x2e: {  	s3 =	simm.s32 @!p0 $0x1082;
	s9 =	sld [smem:$0x3FB4]  }
0x2f: {  	lr =	sadd.s32 s0, s3;
	s0 =	sld [smem:$0x3FAB]  }
0x30: {  	s3 =	sld [smem:$0x3FAE]  }
0x31: {  	[smem:$0x3FB7] =	sst s10  }
0x32: {  	s10 =	sld [smem:$0x3FB5];
	_ =	sdelay $0x3  }
0x33: {  	p0 =	seq.s32 s10, $0x1;
	s10 =	sld [smem:$0x3FB7];
	_ =	sdelay $0x3  }
0x34: {  	[smem:$0x3FB7] =	sst s10  }
0x35: {  	s10 =	sld [smem:$0x3FB6];
	_ =	sdelay $0x3  }
0x36: {  	p1 =	seq.s32 s10, $0x1;
	s10 =	sld [smem:$0x3FB7];
	_ =	sdelay $0x3  }
0x37: {  	[smem:$0x3FB7] =	sst s10  }
0x38: {  	s10 =	sld [smem:$0x3FB8]  }
0x39: {  	_ = 	snop;
	(pc) =	sbr.ind lr, $3  }
0x3a: {  	_ = 	snop  }
0x3b: {  	_ = 	snop  }
0x3c: {  	p2 =	seq.s32 s10, $0x1;
	s10 =	sld [smem:$0x3FB7]  }
0x3d: {  	_ =	shalt  }
0x3e: {  	_ =	shalt  }
0x3f: {  	_ =	shalt  }
0x40: {  	_ =	shalt  }
0x41: {  	_ =	shalt  }
0x42: {  	_ =	shalt  }
0x43: {  	_ =	shalt  }
0x44: {  	_ =	shalt  }
0x45: {  	_ =	shalt  }
0x46: {  	_ =	shalt  }
0x47: {  	_ =	shalt  }
0x48: {  	_ =	shalt  }
0x49: {  	_ =	shalt  }
0x4a: {  	_ =	shalt  }
0x4b: {  	_ =	shalt  }
0x4c: {  	_ =	shalt  }
0x4d: {  	_ =	shalt  }
0x4e: {  	_ =	shalt  }
0x4f: {  	_ =	shalt  }
0x50: {  	_ =	shalt  }
0x51: {  	_ =	shalt  }
0x52: {  	_ =	shalt  }
0x53: {  	_ =	shalt  }
0x54: {  	_ =	shalt  }
0x55: {  	_ =	shalt  }
0x56: {  	_ =	shalt  }
0x57: {  	_ =	shalt  }
0x58: {  	_ =	shalt  }
0x59: {  	_ =	shalt  }
0x5a: {  	_ =	shalt  }
0x5b: {  	_ =	shalt  }
0x5c: {  	_ =	shalt  }
0x5d: {  	_ =	shalt  }
0x5e: {  	_ =	shalt  }
0x5f: {  	_ =	shalt  }
0x60: {  	_ =	shalt  }
0x61: {  	_ =	shalt  }
0x62: {  	_ =	shalt  }
0x63: {  	_ =	shalt  }
0x64: {  	_ =	shalt  }
0x65: {  	_ =	shalt  }
0x66: {  	_ =	shalt  }
0x67: {  	_ =	shalt  }
0x68: {  	_ =	shalt  }
0x69: {  	_ =	shalt  }
0x6a: {  	_ =	shalt  }
0x6b: {  	_ =	shalt  }
0x6c: {  	_ =	shalt  }
0x6d: {  	_ =	shalt  }
0x6e: {  	_ =	shalt  }
0x6f: {  	_ =	shalt  }
0x70: {  	_ =	shalt  }
0x71: {  	_ =	shalt  }
0x72: {  	_ =	shalt  }
0x73: {  	_ =	shalt  }
0x74: {  	_ =	shalt  }
0x75: {  	_ =	shalt  }
0x76: {  	_ =	shalt  }
0x77: {  	_ =	shalt  }
0x78: {  	_ =	shalt  }
0x79: {  	_ =	shalt  }
0x7a: {  	_ =	shalt  }
0x7b: {  	_ =	shalt  }
0x7c: {  	_ =	shalt  }
0x7d: {  	_ =	shalt  }
0x7e: {  	_ =	shalt  }
0x7f: {  	_ =	shalt  }
0x80: {  	_ =	shalt  }
0x81: {  	_ =	shalt  }
0x82: {  	_ =	shalt  }
0x83: {  	_ =	shalt  }
0x84: {  	_ =	shalt  }
0x85: {  	_ =	shalt  }
0x86: {  	_ =	shalt  }
0x87: {  	_ =	shalt  }
.Lfunc_end0:
.L_simem_size_0:
called_computation.1_lowered:
.L_overlay_start_0:
0x88: {  	s2 =	sld [smem:$0x3FD9]  }
0x89: {  	s3 =	sld [smem:$0x3FFE];
	_ =	sdelay $0x1  }
0x8a: {  	s1 =	srdreg.scid  }
0x8b: {  	s0 =	sand.u32 $0x1, s1  }
0x8c: {  	s16 =	sshll.u32 s0, $0xA;
	s2 =	sadd.s32 s3, s2  }
0x8d: {  	s2 =	sadd.s32 s2, s16  }
0x8e: {  	[smem:$0x3FC3] =	sst s2  }
0x8f: {  	_ = 	snop  }
0x90: {  	(tm) =	ssettm $0x1  }
0x91: {  	s17 =	sld [smem:$0x3FFB];
	_ =	sdelay $0x3  }
0x92: {  	_ =	strace s17  }
0x93: {  	s2 =	sld [smem:$0x3FFC];
	_ =	sdelay $0x3  }
0x94: {  	_ =	strace s2  }
0x95: {  	s2 =	sld [smem:$0x3FFD];
	_ =	sdelay $0x3  }
0x96: {  	_ =	strace s2  }
0x97: {  	_ =	strace $0x8FFFFFFF  }
0x98: {  	s18 =	sld [smem:$0x3FDB];
	_ =	sdelay $0x1  }
0x99: {  	s19 =	simm.s32 $_scs_section_size  }
0x9a: {  	s4 =	simm.s32 $_size__tile_overlayer_lowered;
	s5 =	simm.s32 $_tile_overlayer_lowered  }
0x9b: {  	s22 =	simm.s32 $0x1BFF;
	s21 =	sshll.u32 s5, $0x1;
	s2 =	sadd.s32 s19, s18  }
0x9c: {  	s6 =	simm.s32 $0x0;
	s20 =	sshll.u32 s4, $0x1;
	s4 =	sadd.s32 s21, s2  }
0x9d: {  	[timem:s6], [sflag:s22] =	dma.local [hbm:s4], s20  }
0x9e: {  	_ =	swait.ge [sflag:s22], s20  }
0x9f: {  	s3 =	ssub.s32 $0x0, s20;
	[sflag:s22] =	ssyncset.done $0x0  }
0xa0: {  	[sflag:s22] =	ssyncadd.s32 s3;
	_ =	sdelay $0x1  }
0xa1: {  	s23 =	simm.s32 $0x1B8B  }
0xa2: {  	_ =	swait.ge [sflag:s23], $0x1  }
0xa3: {  	[sflag:s23] =	ssyncset.done $0x0  }
0xa4: {  	s25 =	simm.s32 $0x1B8E;
	s24 =	sld [smem:$0x3FFE];
	[sflag:s23] =	ssyncadd.s32 $0xFFFFFFFF  }
0xa5: {  	s26 =	simm.s32 $execute0_lowered;
	[smem:$0x3FD2] =	sst s25  }
0xa6: {  	s4 =	sshll.u32 s26, $0x1;
	_ =	strace $0x80000049;
	[dreg:$0x1] =	wrdreg $0xFFFFFFFF  }
0xa7: {  	s28 =	simm.s32 $_size_execute0_lowered;
	s2 =	sadd.s32 s2, s4;
	[dreg:$0x0] =	wrdreg $0x0  }
0xa8: {  	s4 =	sshll.u32 s28, $0x1;
	[dreg:$0x2] =	wrdreg s2  }
0xa9: {  	[dreg:$0x3] =	wrdreg s4  }
0xaa: {  	[dreg:$0x4] =	wrdreg $0xC0  }
0xab: {  	_ =	task [dreg:s6], $0x5FFFF  }
0xac: {  	[dreg:$0x1] =	wrdreg $0xFFFFFFFF  }
0xad: {  	[dreg:$0x0] =	wrdreg $0x60  }
0xae: {  	[dreg:$0x2] =	wrdreg s24  }
0xaf: {  	[dreg:$0x3] =	wrdreg $0x9  }
0xb0: {  	_ =	task.clear_ibuf [dreg:s6], $0x4FFFF;
	_ =	strace $0x90000049  }
0xb1: {  	s29 =	simm.s32 $0x9;
	_ =	strace $0x8000004B  }
0xb2: {  	_ =	swait.ge [sflag:s29], $0x1  }
0xb3: {  	[sflag:s29] =	ssyncadd.s32 $0xFFFFFFFF  }
0xb4: {  	_ =	strace $0x9000004B  }
0xb5: {  	_ =	sfence  }
0xb6: {  	s30 =	sld [smem:$0x0];
	_ =	sdelay $0x2  }
0xb7: {  	s31 =	sshll.u32 s1, $0xD;
	s1 =	sshrl.u32 s1, $0x2  }
0xb8: {  	s3 =	sand.u32 $0x4000, s31;
	s1 =	sadd.s32 s1, s30  }
0xb9: {  	s0 =	sor.u32 s3, s0;
	s1 =	sshll.u32 s1, $0x11  }
0xba: {  	s0 =	sor.u32 s1, s0  }
0xbb: {  	s0 =	sadd.s32 $0x8F2B, s0  }
0xbc: {  	[sflag:s0] =	ssyncadd.remote.s32 $0x1  }
0xbd: {  	_ =	sfence.sel $0xFFFF  }
0xbe: {  	[dreg:$0x0] =	wrdreg $0xFFFFFFFF;
	(pc) =	sbr.abs _section_cstart, $3  }
0xbf: {  	[dreg:$0x1] =	wrdreg $0xFFFFFFFF  }
0xc0: {  	_ =	task.clear_ibuf [dreg:s6], $0x2FFFF;
	_ =	strace $0x9FFFFFFF  }
0xc1: {  	(tm) =	ssettm $0x7FFFFFFF  }
tec
execute0_lowered:
.L_overlay_start_1:
0x0: {  	(tag) =	ssettag $0x1  }
0x1: {  	s0 =	rddreg [dreg:$0x0];
	s1 =	srdreg.scid  }
0x2: {  	s3 =	stileid.u32;
	s2 =	simm.s32 $0x0;
	s12 =	simm.s32 $0x2  }
0x3: {  	s13 =	simm.s32 $0x3;
	s11 =	simm.s32 $0x100;
	s15 =	simm.s32 $0x900  }
0x4: {  	s16 =	simm.s32 $0x1100;
	s17 =	simm.s32 $0x1900;
	s18 =	simm.s32 $0x2100  }
0x5: {  	s19 =	simm.s32 $0x2900;
	s20 =	simm.s32 $0x3100;
	s21 =	simm.s32 $0x3900  }
0x6: {  	s28 =	simm.s32 $0x6900;
	s29 =	simm.s32 $0x7100;
	s30 =	simm.s32 $0x7900  }
0x7: {  	s31 =	simm.s32 $0x8100;
	s9 =	simm.s32 $0xA900;
	s1 =	sand.u32 $0x1, s1  }
0x8: {  	s10 =	simm.s32 $0xB100;
	s3 =	sshll.u32 s3, $0x6;
	s4 =	sshll.u32 s1, $0x5  }
0x9: {  	[smem:$0x7FF] =	sst s2;
	s8 =	sadd.s32 $0x1000, s0;
	s4 =	sor.u32 s4, s3  }
0xa: {  	_ =	strace $0x8000004A;
	s1 =	ssub.s32 $0x2, s1;
	s5 =	smul.u32 $0x300, s4  }
0xb: {  	s6 =	sshrl.u32 s1, $0x1;
	s7 =	smul.u32 $0x1800, s4;
	s4 =	sadd.s32 s4, s0  }
0xc: {  	s3 =	sadd.s32 $0x181E00, s0;
	s1 =	ssub.s32 s1, s6;
	s4 =	sadd.s32 $0x181A00, s4  }
0xd: {  	s6 =	sadd.s32 $0x182000, s0;
	s22 =	sadd.s32 s8, s5;
	[dreg:$0x2] =	wrdreg s4  }
0xe: {  	s23 =	sshrl.u32 s7, $0x3;
	s5 =	sadd.s32 $0x181F00, s0;
	[dreg:$0x6] =	wrdreg s22  }
0xf: {  	s24 =	sadd.s32 $0x1800, s22;
	s7 =	sadd.s32 s8, s23;
	s22 =	simm.s32 $0x4100  }
0x10: {  	s23 =	simm.s32 $0x4900;
	s8 =	simm.s32 $0xA100;
	[dreg:$0x3] =	wrdreg s24  }
0x11: {  	v2 =	vlaneseq.u32;
	s25 =	sadd.s32 $0x3000, s7;
	s26 =	sadd.s32 $0x4800, s7;
	s7 =	smax.u32 s1, $0x1  }
0x12: {  	vm0 =	vmmov $0xffff;
	v1 =	vshrl.u32 v2, $0x3;
	s24 =	simm.s32 $0x5100;
	s1 =	simm.s32 $0xC100;
	[dreg:$0x4] =	wrdreg s25  }
0x13: {  	v0 =	vand.u32 $0x7, v2;
	v2 =	vor.u32 $0x8, v2;
	v1 =	vmul.u32 $0x8, v1;
	[dreg:$0x5] =	wrdreg s26;
	s25 =	simm.s32 $0x5900;
	s26 =	simm.s32 $0x6100  }
.LBB2_1:
0x14: {  	s14 =	rddreg [dreg:$0x2];
	s0 =	simm.s32 $0x4  }
0x15: {  	[tilespmem:s2], [sflag:$0x4] =	stream.linear.gather [hbm4b:s14+s2], $0x100, $0x38;
	[tilespmem:$0x18100] =	vst v63  }
0x16: {  	_ =	swait.ge [sflag:s0], $0x100  }
0x17: {  	[sflag:s0] =	ssyncset.done $0x0  }
0x18: {  	[sflag:s0] =	ssyncadd.s32 $0xFFFFFF00  }
0x19: {  	v3 =	vld [tilespmem:$0x0];
	_ =	sdelay $0x4  }
0x1a: {  	v4 =	vshrl.u32 v3, $0x3  }
0x1b: {  	v4 =	vmul.u32 $0x30, v4  }
0x1c: {  	v3 =	vand.u32 $0x7, v3  }
0x1d: {  	v3 =	vor.u32 v3, v4  }
0x1e: {  	v4 =	vperm.xlane v3, v0;
	_ =	sdelay $0x1  }
0x1f: {  	v4 =	vadd.s32 v1, v4;
	_ =	sdelay $0x3  }
0x20: {  	v3 =	vperm.xlane v3, v2  }
0x21: {  	[tilespmem:s11], [sflag:$0x1] =	stream.indirect_vreg.gather [hbm4b:s3+s2], $0x80, v4, vm0, $0xb8;
	[tilespmem:$0x18100] =	vst v63  }
0x22: {  	v3 =	vadd.s32 v1, v3  }
0x23: {  	[tilespmem:s15], [sflag:$0x1] =	stream.indirect_vreg.gather [hbm4b:s5+s2], $0x80, v4, vm0, $0xb8;
	[tilespmem:$0x18100] =	vst v63  }
0x24: {  	_ = 	snop  }
0x25: {  	[tilespmem:s16], [sflag:$0x1] =	stream.indirect_vreg.gather [hbm4b:s6+s2], $0x80, v4, vm0, $0xb8;
	[tilespmem:$0x18100] =	vst v63  }
0x26: {  	_ = 	snop  }
0x27: {  	[tilespmem:s17], [sflag:$0x1] =	stream.indirect_vreg.gather [hbm4b:s3+s2], $0x80, v3, vm0, $0xb8;
	[tilespmem:$0x18100] =	vst v63  }
0x28: {  	_ = 	snop  }
0x29: {  	[tilespmem:s18], [sflag:$0x1] =	stream.indirect_vreg.gather [hbm4b:s5+s2], $0x80, v3, vm0, $0xb8;
	[tilespmem:$0x18100] =	vst v63  }
0x2a: {  	_ = 	snop  }
0x2b: {  	[tilespmem:s19], [sflag:$0x1] =	stream.indirect_vreg.gather [hbm4b:s6+s2], $0x80, v3, vm0, $0xb8;
	[tilespmem:$0x18100] =	vst v63  }
0x2c: {  	v3 =	vld [tilespmem:$0x10];
	_ =	sdelay $0x4  }
0x2d: {  	v49 =	vshrl.u32 v3, $0x3  }
0x2e: {  	v4 =	vmul.u32 $0x30, v49  }
0x2f: {  	v3 =	vand.u32 $0x7, v3  }
0x30: {  	v3 =	vor.u32 v3, v4  }
0x31: {  	v4 =	vperm.xlane v3, v0;
	_ =	sdelay $0x1  }
0x32: {  	v4 =	vadd.s32 v1, v4;
	_ =	sdelay $0x3  }
0x33: {  	v3 =	vperm.xlane v3, v2  }
0x34: {  	[tilespmem:s20], [sflag:$0x1] =	stream.indirect_vreg.gather [hbm4b:s3+s2], $0x80, v4, vm0, $0xb8;
	[tilespmem:$0x18100] =	vst v63  }
0x35: {  	v3 =	vadd.s32 v1, v3  }
0x36: {  	[tilespmem:s21], [sflag:$0x1] =	stream.indirect_vreg.gather [hbm4b:s5+s2], $0x80, v4, vm0, $0xb8;
	[tilespmem:$0x18100] =	vst v63  }
0x37: {  	_ = 	snop  }
0x38: {  	[tilespmem:s22], [sflag:$0x1] =	stream.indirect_vreg.gather [hbm4b:s6+s2], $0x80, v4, vm0, $0xb8;
	[tilespmem:$0x18100] =	vst v63  }
0x39: {  	_ = 	snop  }
0x3a: {  	[tilespmem:s23], [sflag:$0x1] =	stream.indirect_vreg.gather [hbm4b:s3+s2], $0x80, v3, vm0, $0xb8;
	[tilespmem:$0x18100] =	vst v63  }
0x3b: {  	_ = 	snop  }
0x3c: {  	[tilespmem:s24], [sflag:$0x1] =	stream.indirect_vreg.gather [hbm4b:s5+s2], $0x80, v3, vm0, $0xb8;
	[tilespmem:$0x18100] =	vst v63  }
0x3d: {  	_ = 	snop  }
0x3e: {  	[tilespmem:s25], [sflag:$0x1] =	stream.indirect_vreg.gather [hbm4b:s6+s2], $0x80, v3, vm0, $0xb8;
	[tilespmem:$0x18100] =	vst v63  }
0x3f: {  	v3 =	vld [tilespmem:$0x20];
	_ =	sdelay $0x4  }
0x40: {  	v50 =	vshrl.u32 v3, $0x3  }
0x41: {  	v4 =	vmul.u32 $0x30, v50  }
0x42: {  	v3 =	vand.u32 $0x7, v3  }
0x43: {  	v3 =	vor.u32 v3, v4  }
0x44: {  	v4 =	vperm.xlane v3, v0;
	_ =	sdelay $0x1  }
0x45: {  	v4 =	vadd.s32 v1, v4;
	_ =	sdelay $0x3  }
0x46: {  	v3 =	vperm.xlane v3, v2  }
0x47: {  	[tilespmem:s26], [sflag:$0x1] =	stream.indirect_vreg.gather [hbm4b:s3+s2], $0x80, v4, vm0, $0xb8;
	[tilespmem:$0x18100] =	vst v63  }
0x48: {  	v3 =	vadd.s32 v1, v3  }
0x49: {  	[tilespmem:s28], [sflag:$0x1] =	stream.indirect_vreg.gather [hbm4b:s5+s2], $0x80, v4, vm0, $0xb8;
	[tilespmem:$0x18100] =	vst v63  }
0x4a: {  	_ = 	snop  }
0x4b: {  	[tilespmem:s29], [sflag:$0x1] =	stream.indirect_vreg.gather [hbm4b:s6+s2], $0x80, v4, vm0, $0xb8;
	[tilespmem:$0x18100] =	vst v63  }
0x4c: {  	_ = 	snop  }
0x4d: {  	[tilespmem:s30], [sflag:$0x1] =	stream.indirect_vreg.gather [hbm4b:s3+s2], $0x80, v3, vm0, $0xb8;
	[tilespmem:$0x18100] =	vst v63  }
0x4e: {  	_ = 	snop  }
0x4f: {  	[tilespmem:s31], [sflag:$0x1] =	stream.indirect_vreg.gather [hbm4b:s5+s2], $0x80, v3, vm0, $0xb8;
	[tilespmem:$0x18100] =	vst v63  }
0x50: {  	s14 =	simm.s32 $0x8900  }
0x51: {  	[tilespmem:s14], [sflag:$0x1] =	stream.indirect_vreg.gather [hbm4b:s6+s2], $0x80, v3, vm0, $0xb8;
	[tilespmem:$0x18100] =	vst v63  }
0x52: {  	v3 =	vld [tilespmem:$0x30];
	_ =	sdelay $0x4  }
0x53: {  	v51 =	vshrl.u32 v3, $0x3  }
0x54: {  	v4 =	vmul.u32 $0x30, v51  }
0x55: {  	v3 =	vand.u32 $0x7, v3  }
0x56: {  	v3 =	vor.u32 v3, v4  }
0x57: {  	v4 =	vperm.xlane v3, v0;
	_ =	sdelay $0x1  }
0x58: {  	v4 =	vadd.s32 v1, v4;
	_ =	sdelay $0x3  }
0x59: {  	s4 =	simm.s32 $0x9100;
	v3 =	vperm.xlane v3, v2  }
0x5a: {  	[tilespmem:s4], [sflag:$0x1] =	stream.indirect_vreg.gather [hbm4b:s3+s2], $0x80, v4, vm0, $0xb8;
	[tilespmem:$0x18100] =	vst v63  }
0x5b: {  	v3 =	vadd.s32 v1, v3;
	s4 =	simm.s32 $0x9900  }
0x5c: {  	[tilespmem:s4], [sflag:$0x1] =	stream.indirect_vreg.gather [hbm4b:s5+s2], $0x80, v4, vm0, $0xb8;
	[tilespmem:$0x18100] =	vst v63  }
0x5d: {  	_ = 	snop  }
0x5e: {  	[tilespmem:s8], [sflag:$0x1] =	stream.indirect_vreg.gather [hbm4b:s6+s2], $0x80, v4, vm0, $0xb8;
	[tilespmem:$0x18100] =	vst v63  }
0x5f: {  	_ = 	snop  }
0x60: {  	[tilespmem:s9], [sflag:$0x1] =	stream.indirect_vreg.gather [hbm4b:s3+s2], $0x80, v3, vm0, $0xb8;
	[tilespmem:$0x18100] =	vst v63  }
0x61: {  	_ = 	snop  }
0x62: {  	[tilespmem:s10], [sflag:$0x1] =	stream.indirect_vreg.gather [hbm4b:s5+s2], $0x80, v3, vm0, $0xb8;
	[tilespmem:$0x18100] =	vst v63  }
0x63: {  	s0 =	simm.s32 $0x1;
	s14 =	simm.s32 $0xB900  }
0x64: {  	[tilespmem:s14], [sflag:$0x1] =	stream.indirect_vreg.gather [hbm4b:s6+s2], $0x80, v3, vm0, $0xb8;
	[tilespmem:$0x18100] =	vst v63  }
0x65: {  	_ =	swait.ge [sflag:s0], $0xC000  }
0x66: {  	[sflag:s0] =	ssyncset.done $0x0  }
0x67: {  	s14 =	rddreg [dreg:$0x6];
	[sflag:s0] =	ssyncadd.s32 $0xFFFF4000  }
0x68: {  	[hbm4b:s14+s2] =	stream.linear.scatter [tilespmem:s11], [sflag:$0x3], $0xC000, $0x38;
	[tilespmem:$0x18100] =	vst v63  }
0x69: {  	v3 =	vld [tilespmem:$0x40];
	_ =	sdelay $0x4  }
0x6a: {  	v52 =	vshrl.u32 v3, $0x3  }
0x6b: {  	v4 =	vmul.u32 $0x30, v52  }
0x6c: {  	v3 =	vand.u32 $0x7, v3  }
0x6d: {  	v3 =	vor.u32 v3, v4  }
0x6e: {  	v4 =	vperm.xlane v3, v0;
	_ =	sdelay $0x1  }
0x6f: {  	v4 =	vadd.s32 v1, v4;
	_ =	sdelay $0x3  }
0x70: {  	v3 =	vperm.xlane v3, v2  }
0x71: {  	[tilespmem:s1], [sflag:$0x2] =	stream.indirect_vreg.gather [hbm4b:s3+s2], $0x80, v4, vm0, $0xb8;
	[tilespmem:$0x18100] =	vst v63  }
0x72: {  	s14 =	simm.s32 $0xC900;
	v3 =	vadd.s32 v1, v3  }
0x73: {  	[tilespmem:s14], [sflag:$0x2] =	stream.indirect_vreg.gather [hbm4b:s5+s2], $0x80, v4, vm0, $0xb8;
	[tilespmem:$0x18100] =	vst v63  }
0x74: {  	s14 =	simm.s32 $0xD100  }
0x75: {  	[tilespmem:s14], [sflag:$0x2] =	stream.indirect_vreg.gather [hbm4b:s6+s2], $0x80, v4, vm0, $0xb8;
	[tilespmem:$0x18100] =	vst v63  }
0x76: {  	s14 =	simm.s32 $0xD900  }
0x77: {  	[tilespmem:s14], [sflag:$0x2] =	stream.indirect_vreg.gather [hbm4b:s3+s2], $0x80, v3, vm0, $0xb8;
	[tilespmem:$0x18100] =	vst v63  }
0x78: {  	s14 =	simm.s32 $0xE100  }
0x79: {  	[tilespmem:s14], [sflag:$0x2] =	stream.indirect_vreg.gather [hbm4b:s5+s2], $0x80, v3, vm0, $0xb8;
	[tilespmem:$0x18100] =	vst v63  }
0x7a: {  	s14 =	simm.s32 $0xE900  }
0x7b: {  	[tilespmem:s14], [sflag:$0x2] =	stream.indirect_vreg.gather [hbm4b:s6+s2], $0x80, v3, vm0, $0xb8;
	[tilespmem:$0x18100] =	vst v63  }
0x7c: {  	v3 =	vld [tilespmem:$0x50];
	_ =	sdelay $0x4  }
0x7d: {  	v53 =	vshrl.u32 v3, $0x3  }
0x7e: {  	v4 =	vmul.u32 $0x30, v53  }
0x7f: {  	v3 =	vand.u32 $0x7, v3  }
0x80: {  	v3 =	vor.u32 v3, v4  }
0x81: {  	v4 =	vperm.xlane v3, v0;
	_ =	sdelay $0x1  }
0x82: {  	v4 =	vadd.s32 v1, v4;
	_ =	sdelay $0x3  }
0x83: {  	s14 =	simm.s32 $0xF100;
	v3 =	vperm.xlane v3, v2  }
0x84: {  	[tilespmem:s14], [sflag:$0x2] =	stream.indirect_vreg.gather [hbm4b:s3+s2], $0x80, v4, vm0, $0xb8;
	[tilespmem:$0x18100] =	vst v63  }
0x85: {  	v3 =	vadd.s32 v1, v3;
	s14 =	simm.s32 $0xF900  }
0x86: {  	[tilespmem:s14], [sflag:$0x2] =	stream.indirect_vreg.gather [hbm4b:s5+s2], $0x80, v4, vm0, $0xb8;
	[tilespmem:$0x18100] =	vst v63  }
0x87: {  	s14 =	simm.s32 $0x10100  }
0x88: {  	[tilespmem:s14], [sflag:$0x2] =	stream.indirect_vreg.gather [hbm4b:s6+s2], $0x80, v4, vm0, $0xb8;
	[tilespmem:$0x18100] =	vst v63  }
0x89: {  	s14 =	simm.s32 $0x10900  }
0x8a: {  	[tilespmem:s14], [sflag:$0x2] =	stream.indirect_vreg.gather [hbm4b:s3+s2], $0x80, v3, vm0, $0xb8;
	[tilespmem:$0x18100] =	vst v63  }
0x8b: {  	s14 =	simm.s32 $0x11100  }
0x8c: {  	[tilespmem:s14], [sflag:$0x2] =	stream.indirect_vreg.gather [hbm4b:s5+s2], $0x80, v3, vm0, $0xb8;
	[tilespmem:$0x18100] =	vst v63  }
0x8d: {  	s14 =	simm.s32 $0x11900  }
0x8e: {  	[tilespmem:s14], [sflag:$0x2] =	stream.indirect_vreg.gather [hbm4b:s6+s2], $0x80, v3, vm0, $0xb8;
	[tilespmem:$0x18100] =	vst v63  }
0x8f: {  	v3 =	vld [tilespmem:$0x60];
	_ =	sdelay $0x4  }
0x90: {  	v54 =	vshrl.u32 v3, $0x3  }
0x91: {  	v4 =	vmul.u32 $0x30, v54  }
0x92: {  	v3 =	vand.u32 $0x7, v3  }
0x93: {  	v3 =	vor.u32 v3, v4  }
0x94: {  	v4 =	vperm.xlane v3, v0;
	_ =	sdelay $0x1  }
0x95: {  	v4 =	vadd.s32 v1, v4;
	_ =	sdelay $0x3  }
0x96: {  	s14 =	simm.s32 $0x12100;
	v3 =	vperm.xlane v3, v2  }
0x97: {  	[tilespmem:s14], [sflag:$0x2] =	stream.indirect_vreg.gather [hbm4b:s3+s2], $0x80, v4, vm0, $0xb8;
	[tilespmem:$0x18100] =	vst v63  }
0x98: {  	v3 =	vadd.s32 v1, v3;
	s14 =	simm.s32 $0x12900  }
0x99: {  	[tilespmem:s14], [sflag:$0x2] =	stream.indirect_vreg.gather [hbm4b:s5+s2], $0x80, v4, vm0, $0xb8;
	[tilespmem:$0x18100] =	vst v63  }
0x9a: {  	s14 =	simm.s32 $0x13100  }
0x9b: {  	[tilespmem:s14], [sflag:$0x2] =	stream.indirect_vreg.gather [hbm4b:s6+s2], $0x80, v4, vm0, $0xb8;
	[tilespmem:$0x18100] =	vst v63  }
0x9c: {  	s14 =	simm.s32 $0x13900  }
0x9d: {  	[tilespmem:s14], [sflag:$0x2] =	stream.indirect_vreg.gather [hbm4b:s3+s2], $0x80, v3, vm0, $0xb8;
	[tilespmem:$0x18100] =	vst v63  }
0x9e: {  	s14 =	simm.s32 $0x14100  }
0x9f: {  	[tilespmem:s14], [sflag:$0x2] =	stream.indirect_vreg.gather [hbm4b:s5+s2], $0x80, v3, vm0, $0xb8;
	[tilespmem:$0x18100] =	vst v63  }
0xa0: {  	s14 =	simm.s32 $0x14900  }
0xa1: {  	[tilespmem:s14], [sflag:$0x2] =	stream.indirect_vreg.gather [hbm4b:s6+s2], $0x80, v3, vm0, $0xb8;
	[tilespmem:$0x18100] =	vst v63  }
0xa2: {  	v3 =	vld [tilespmem:$0x70];
	_ =	sdelay $0x4  }
0xa3: {  	v55 =	vshrl.u32 v3, $0x3  }
0xa4: {  	v4 =	vmul.u32 $0x30, v55  }
0xa5: {  	v3 =	vand.u32 $0x7, v3  }
0xa6: {  	v3 =	vor.u32 v3, v4  }
0xa7: {  	v4 =	vperm.xlane v3, v0;
	_ =	sdelay $0x1  }
0xa8: {  	v4 =	vadd.s32 v1, v4;
	_ =	sdelay $0x3  }
0xa9: {  	s14 =	simm.s32 $0x15100;
	v3 =	vperm.xlane v3, v2  }
0xaa: {  	[tilespmem:s14], [sflag:$0x2] =	stream.indirect_vreg.gather [hbm4b:s3+s2], $0x80, v4, vm0, $0xb8;
	[tilespmem:$0x18100] =	vst v63  }
0xab: {  	v3 =	vadd.s32 v1, v3;
	s14 =	simm.s32 $0x15900  }
0xac: {  	[tilespmem:s14], [sflag:$0x2] =	stream.indirect_vreg.gather [hbm4b:s5+s2], $0x80, v4, vm0, $0xb8;
	[tilespmem:$0x18100] =	vst v63  }
0xad: {  	s14 =	simm.s32 $0x16100  }
0xae: {  	[tilespmem:s14], [sflag:$0x2] =	stream.indirect_vreg.gather [hbm4b:s6+s2], $0x80, v4, vm0, $0xb8;
	[tilespmem:$0x18100] =	vst v63  }
0xaf: {  	s14 =	simm.s32 $0x16900  }
0xb0: {  	[tilespmem:s14], [sflag:$0x2] =	stream.indirect_vreg.gather [hbm4b:s3+s2], $0x80, v3, vm0, $0xb8;
	[tilespmem:$0x18100] =	vst v63  }
0xb1: {  	s14 =	simm.s32 $0x17100  }
0xb2: {  	[tilespmem:s14], [sflag:$0x2] =	stream.indirect_vreg.gather [hbm4b:s5+s2], $0x80, v3, vm0, $0xb8;
	[tilespmem:$0x18100] =	vst v63  }
0xb3: {  	s14 =	simm.s32 $0x17900  }
0xb4: {  	[tilespmem:s14], [sflag:$0x2] =	stream.indirect_vreg.gather [hbm4b:s6+s2], $0x80, v3, vm0, $0xb8;
	[tilespmem:$0x18100] =	vst v63  }
0xb5: {  	_ =	swait.ge [sflag:s12], $0xC000  }
0xb6: {  	[sflag:s12] =	ssyncset.done $0x0  }
0xb7: {  	[sflag:s12] =	ssyncadd.s32 $0xFFFF4000  }
0xb8: {  	_ =	swait.ge [sflag:s13], $0xC000  }
0xb9: {  	[sflag:s13] =	ssyncset.done $0x0  }
0xba: {  	s14 =	rddreg [dreg:$0x3];
	[sflag:s13] =	ssyncadd.s32 $0xFFFF4000  }
0xbb: {  	[hbm4b:s14+s2] =	stream.linear.scatter [tilespmem:s1], [sflag:$0x3], $0xC000, $0x38;
	[tilespmem:$0x18100] =	vst v63  }
0xbc: {  	v3 =	vld [tilespmem:$0x80];
	_ =	sdelay $0x4  }
0xbd: {  	v56 =	vshrl.u32 v3, $0x3  }
0xbe: {  	v4 =	vmul.u32 $0x30, v56  }
0xbf: {  	v3 =	vand.u32 $0x7, v3  }
0xc0: {  	v3 =	vor.u32 v3, v4  }
0xc1: {  	v4 =	vperm.xlane v3, v0;
	_ =	sdelay $0x1  }
0xc2: {  	v4 =	vadd.s32 v1, v4;
	_ =	sdelay $0x3  }
0xc3: {  	v3 =	vperm.xlane v3, v2  }
0xc4: {  	[tilespmem:s11], [sflag:$0x1] =	stream.indirect_vreg.gather [hbm4b:s3+s2], $0x80, v4, vm0, $0xb8;
	[tilespmem:$0x18100] =	vst v63  }
0xc5: {  	v3 =	vadd.s32 v1, v3  }
0xc6: {  	[tilespmem:s15], [sflag:$0x1] =	stream.indirect_vreg.gather [hbm4b:s5+s2], $0x80, v4, vm0, $0xb8;
	[tilespmem:$0x18100] =	vst v63  }
0xc7: {  	_ = 	snop  }
0xc8: {  	[tilespmem:s16], [sflag:$0x1] =	stream.indirect_vreg.gather [hbm4b:s6+s2], $0x80, v4, vm0, $0xb8;
	[tilespmem:$0x18100] =	vst v63  }
0xc9: {  	_ = 	snop  }
0xca: {  	[tilespmem:s17], [sflag:$0x1] =	stream.indirect_vreg.gather [hbm4b:s3+s2], $0x80, v3, vm0, $0xb8;
	[tilespmem:$0x18100] =	vst v63  }
0xcb: {  	_ = 	snop  }
0xcc: {  	[tilespmem:s18], [sflag:$0x1] =	stream.indirect_vreg.gather [hbm4b:s5+s2], $0x80, v3, vm0, $0xb8;
	[tilespmem:$0x18100] =	vst v63  }
0xcd: {  	_ = 	snop  }
0xce: {  	[tilespmem:s19], [sflag:$0x1] =	stream.indirect_vreg.gather [hbm4b:s6+s2], $0x80, v3, vm0, $0xb8;
	[tilespmem:$0x18100] =	vst v63  }
0xcf: {  	v3 =	vld [tilespmem:$0x90];
	_ =	sdelay $0x4  }
0xd0: {  	v57 =	vshrl.u32 v3, $0x3  }
0xd1: {  	v4 =	vmul.u32 $0x30, v57  }
0xd2: {  	v3 =	vand.u32 $0x7, v3  }
0xd3: {  	v3 =	vor.u32 v3, v4  }
0xd4: {  	v4 =	vperm.xlane v3, v0;
	_ =	sdelay $0x1  }
0xd5: {  	v4 =	vadd.s32 v1, v4;
	_ =	sdelay $0x3  }
0xd6: {  	v3 =	vperm.xlane v3, v2  }
0xd7: {  	[tilespmem:s20], [sflag:$0x1] =	stream.indirect_vreg.gather [hbm4b:s3+s2], $0x80, v4, vm0, $0xb8;
	[tilespmem:$0x18100] =	vst v63  }
0xd8: {  	v3 =	vadd.s32 v1, v3  }
0xd9: {  	[tilespmem:s21], [sflag:$0x1] =	stream.indirect_vreg.gather [hbm4b:s5+s2], $0x80, v4, vm0, $0xb8;
	[tilespmem:$0x18100] =	vst v63  }
0xda: {  	_ = 	snop  }
0xdb: {  	[tilespmem:s22], [sflag:$0x1] =	stream.indirect_vreg.gather [hbm4b:s6+s2], $0x80, v4, vm0, $0xb8;
	[tilespmem:$0x18100] =	vst v63  }
0xdc: {  	_ = 	snop  }
0xdd: {  	[tilespmem:s23], [sflag:$0x1] =	stream.indirect_vreg.gather [hbm4b:s3+s2], $0x80, v3, vm0, $0xb8;
	[tilespmem:$0x18100] =	vst v63  }
0xde: {  	_ = 	snop  }
0xdf: {  	[tilespmem:s24], [sflag:$0x1] =	stream.indirect_vreg.gather [hbm4b:s5+s2], $0x80, v3, vm0, $0xb8;
	[tilespmem:$0x18100] =	vst v63  }
0xe0: {  	_ = 	snop  }
0xe1: {  	[tilespmem:s25], [sflag:$0x1] =	stream.indirect_vreg.gather [hbm4b:s6+s2], $0x80, v3, vm0, $0xb8;
	[tilespmem:$0x18100] =	vst v63  }
0xe2: {  	v3 =	vld [tilespmem:$0xA0];
	_ =	sdelay $0x4  }
0xe3: {  	v58 =	vshrl.u32 v3, $0x3  }
0xe4: {  	v4 =	vmul.u32 $0x30, v58  }
0xe5: {  	v3 =	vand.u32 $0x7, v3  }
0xe6: {  	v3 =	vor.u32 v3, v4  }
0xe7: {  	v4 =	vperm.xlane v3, v0;
	_ =	sdelay $0x1  }
0xe8: {  	v4 =	vadd.s32 v1, v4;
	_ =	sdelay $0x3  }
0xe9: {  	v3 =	vperm.xlane v3, v2  }
0xea: {  	[tilespmem:s26], [sflag:$0x1] =	stream.indirect_vreg.gather [hbm4b:s3+s2], $0x80, v4, vm0, $0xb8;
	[tilespmem:$0x18100] =	vst v63  }
0xeb: {  	v3 =	vadd.s32 v1, v3  }
0xec: {  	[tilespmem:s28], [sflag:$0x1] =	stream.indirect_vreg.gather [hbm4b:s5+s2], $0x80, v4, vm0, $0xb8;
	[tilespmem:$0x18100] =	vst v63  }
0xed: {  	_ = 	snop  }
0xee: {  	[tilespmem:s29], [sflag:$0x1] =	stream.indirect_vreg.gather [hbm4b:s6+s2], $0x80, v4, vm0, $0xb8;
	[tilespmem:$0x18100] =	vst v63  }
0xef: {  	_ = 	snop  }
0xf0: {  	[tilespmem:s30], [sflag:$0x1] =	stream.indirect_vreg.gather [hbm4b:s3+s2], $0x80, v3, vm0, $0xb8;
	[tilespmem:$0x18100] =	vst v63  }
0xf1: {  	_ = 	snop  }
0xf2: {  	[tilespmem:s31], [sflag:$0x1] =	stream.indirect_vreg.gather [hbm4b:s5+s2], $0x80, v3, vm0, $0xb8;
	[tilespmem:$0x18100] =	vst v63  }
0xf3: {  	s14 =	simm.s32 $0x8900  }
0xf4: {  	[tilespmem:s14], [sflag:$0x1] =	stream.indirect_vreg.gather [hbm4b:s6+s2], $0x80, v3, vm0, $0xb8;
	[tilespmem:$0x18100] =	vst v63  }
0xf5: {  	v3 =	vld [tilespmem:$0xB0];
	_ =	sdelay $0x4  }
0xf6: {  	v59 =	vshrl.u32 v3, $0x3  }
0xf7: {  	v4 =	vmul.u32 $0x30, v59  }
0xf8: {  	v3 =	vand.u32 $0x7, v3  }
0xf9: {  	v3 =	vor.u32 v3, v4  }
0xfa: {  	v4 =	vperm.xlane v3, v0;
	_ =	sdelay $0x1  }
0xfb: {  	v4 =	vadd.s32 v1, v4;
	_ =	sdelay $0x3  }
0xfc: {  	s14 =	simm.s32 $0x9100;
	v3 =	vperm.xlane v3, v2  }
0xfd: {  	[tilespmem:s14], [sflag:$0x1] =	stream.indirect_vreg.gather [hbm4b:s3+s2], $0x80, v4, vm0, $0xb8;
	[tilespmem:$0x18100] =	vst v63  }
0xfe: {  	v3 =	vadd.s32 v1, v3  }
0xff: {  	[tilespmem:s4], [sflag:$0x1] =	stream.indirect_vreg.gather [hbm4b:s5+s2], $0x80, v4, vm0, $0xb8;
	[tilespmem:$0x18100] =	vst v63  }
0x100: {  	_ = 	snop  }
0x101: {  	[tilespmem:s8], [sflag:$0x1] =	stream.indirect_vreg.gather [hbm4b:s6+s2], $0x80, v4, vm0, $0xb8;
	[tilespmem:$0x18100] =	vst v63  }
0x102: {  	_ = 	snop  }
0x103: {  	[tilespmem:s9], [sflag:$0x1] =	stream.indirect_vreg.gather [hbm4b:s3+s2], $0x80, v3, vm0, $0xb8;
	[tilespmem:$0x18100] =	vst v63  }
0x104: {  	_ = 	snop  }
0x105: {  	[tilespmem:s10], [sflag:$0x1] =	stream.indirect_vreg.gather [hbm4b:s5+s2], $0x80, v3, vm0, $0xb8;
	[tilespmem:$0x18100] =	vst v63  }
0x106: {  	s14 =	simm.s32 $0xB900  }
0x107: {  	[tilespmem:s14], [sflag:$0x1] =	stream.indirect_vreg.gather [hbm4b:s6+s2], $0x80, v3, vm0, $0xb8;
	[tilespmem:$0x18100] =	vst v63  }
0x108: {  	_ =	swait.ge [sflag:s0], $0xC000  }
0x109: {  	[sflag:s0] =	ssyncset.done $0x0  }
0x10a: {  	[sflag:s0] =	ssyncadd.s32 $0xFFFF4000  }
0x10b: {  	_ =	swait.ge [sflag:s13], $0xC000  }
0x10c: {  	[sflag:s13] =	ssyncset.done $0x0  }
0x10d: {  	s4 =	rddreg [dreg:$0x4];
	[sflag:s13] =	ssyncadd.s32 $0xFFFF4000  }
0x10e: {  	[hbm4b:s4+s2] =	stream.linear.scatter [tilespmem:s11], [sflag:$0x3], $0xC000, $0x38;
	[tilespmem:$0x18100] =	vst v63  }
0x10f: {  	v3 =	vld [tilespmem:$0xC0];
	_ =	sdelay $0x4  }
0x110: {  	v60 =	vshrl.u32 v3, $0x3  }
0x111: {  	v4 =	vmul.u32 $0x30, v60  }
0x112: {  	v3 =	vand.u32 $0x7, v3  }
0x113: {  	v3 =	vor.u32 v3, v4  }
0x114: {  	v4 =	vperm.xlane v3, v0;
	_ =	sdelay $0x1  }
0x115: {  	v4 =	vadd.s32 v1, v4;
	_ =	sdelay $0x3  }
0x116: {  	v3 =	vperm.xlane v3, v2  }
0x117: {  	[tilespmem:s1], [sflag:$0x2] =	stream.indirect_vreg.gather [hbm4b:s3+s2], $0x80, v4, vm0, $0xb8;
	[tilespmem:$0x18100] =	vst v63  }
0x118: {  	s14 =	simm.s32 $0xC900;
	v3 =	vadd.s32 v1, v3  }
0x119: {  	[tilespmem:s14], [sflag:$0x2] =	stream.indirect_vreg.gather [hbm4b:s5+s2], $0x80, v4, vm0, $0xb8;
	[tilespmem:$0x18100] =	vst v63  }
0x11a: {  	s4 =	simm.s32 $0xD100  }
0x11b: {  	[tilespmem:s4], [sflag:$0x2] =	stream.indirect_vreg.gather [hbm4b:s6+s2], $0x80, v4, vm0, $0xb8;
	[tilespmem:$0x18100] =	vst v63  }
0x11c: {  	s14 =	simm.s32 $0xD900  }
0x11d: {  	[tilespmem:s14], [sflag:$0x2] =	stream.indirect_vreg.gather [hbm4b:s3+s2], $0x80, v3, vm0, $0xb8;
	[tilespmem:$0x18100] =	vst v63  }
0x11e: {  	s4 =	simm.s32 $0xE100  }
0x11f: {  	[tilespmem:s4], [sflag:$0x2] =	stream.indirect_vreg.gather [hbm4b:s5+s2], $0x80, v3, vm0, $0xb8;
	[tilespmem:$0x18100] =	vst v63  }
0x120: {  	s14 =	simm.s32 $0xE900  }
0x121: {  	[tilespmem:s14], [sflag:$0x2] =	stream.indirect_vreg.gather [hbm4b:s6+s2], $0x80, v3, vm0, $0xb8;
	[tilespmem:$0x18100] =	vst v63  }
0x122: {  	v3 =	vld [tilespmem:$0xD0];
	_ =	sdelay $0x4  }
0x123: {  	v61 =	vshrl.u32 v3, $0x3  }
0x124: {  	v4 =	vmul.u32 $0x30, v61  }
0x125: {  	v3 =	vand.u32 $0x7, v3  }
0x126: {  	v3 =	vor.u32 v3, v4  }
0x127: {  	v4 =	vperm.xlane v3, v0;
	_ =	sdelay $0x1  }
0x128: {  	v4 =	vadd.s32 v1, v4;
	_ =	sdelay $0x3  }
0x129: {  	s4 =	simm.s32 $0xF100;
	v3 =	vperm.xlane v3, v2  }
0x12a: {  	[tilespmem:s4], [sflag:$0x2] =	stream.indirect_vreg.gather [hbm4b:s3+s2], $0x80, v4, vm0, $0xb8;
	[tilespmem:$0x18100] =	vst v63  }
0x12b: {  	s14 =	simm.s32 $0xF900;
	v3 =	vadd.s32 v1, v3  }
0x12c: {  	[tilespmem:s14], [sflag:$0x2] =	stream.indirect_vreg.gather [hbm4b:s5+s2], $0x80, v4, vm0, $0xb8;
	[tilespmem:$0x18100] =	vst v63  }
0x12d: {  	s4 =	simm.s32 $0x10100  }
0x12e: {  	[tilespmem:s4], [sflag:$0x2] =	stream.indirect_vreg.gather [hbm4b:s6+s2], $0x80, v4, vm0, $0xb8;
	[tilespmem:$0x18100] =	vst v63  }
0x12f: {  	s14 =	simm.s32 $0x10900  }
0x130: {  	[tilespmem:s14], [sflag:$0x2] =	stream.indirect_vreg.gather [hbm4b:s3+s2], $0x80, v3, vm0, $0xb8;
	[tilespmem:$0x18100] =	vst v63  }
0x131: {  	s4 =	simm.s32 $0x11100  }
0x132: {  	[tilespmem:s4], [sflag:$0x2] =	stream.indirect_vreg.gather [hbm4b:s5+s2], $0x80, v3, vm0, $0xb8;
	[tilespmem:$0x18100] =	vst v63  }
0x133: {  	s14 =	simm.s32 $0x11900  }
0x134: {  	[tilespmem:s14], [sflag:$0x2] =	stream.indirect_vreg.gather [hbm4b:s6+s2], $0x80, v3, vm0, $0xb8;
	[tilespmem:$0x18100] =	vst v63  }
0x135: {  	v3 =	vld [tilespmem:$0xE0];
	_ =	sdelay $0x4  }
0x136: {  	v62 =	vshrl.u32 v3, $0x3  }
0x137: {  	v4 =	vmul.u32 $0x30, v62  }
0x138: {  	v3 =	vand.u32 $0x7, v3  }
0x139: {  	v3 =	vor.u32 v3, v4  }
0x13a: {  	v4 =	vperm.xlane v3, v0;
	_ =	sdelay $0x1  }
0x13b: {  	v4 =	vadd.s32 v1, v4;
	_ =	sdelay $0x3  }
0x13c: {  	s4 =	simm.s32 $0x12100;
	v3 =	vperm.xlane v3, v2  }
0x13d: {  	[tilespmem:s4], [sflag:$0x2] =	stream.indirect_vreg.gather [hbm4b:s3+s2], $0x80, v4, vm0, $0xb8;
	[tilespmem:$0x18100] =	vst v63  }
0x13e: {  	s14 =	simm.s32 $0x12900;
	v3 =	vadd.s32 v1, v3  }
0x13f: {  	[tilespmem:s14], [sflag:$0x2] =	stream.indirect_vreg.gather [hbm4b:s5+s2], $0x80, v4, vm0, $0xb8;
	[tilespmem:$0x18100] =	vst v63  }
0x140: {  	s4 =	simm.s32 $0x13100  }
0x141: {  	[tilespmem:s4], [sflag:$0x2] =	stream.indirect_vreg.gather [hbm4b:s6+s2], $0x80, v4, vm0, $0xb8;
	[tilespmem:$0x18100] =	vst v63  }
0x142: {  	s14 =	simm.s32 $0x13900  }
0x143: {  	[tilespmem:s14], [sflag:$0x2] =	stream.indirect_vreg.gather [hbm4b:s3+s2], $0x80, v3, vm0, $0xb8;
	[tilespmem:$0x18100] =	vst v63  }
0x144: {  	s4 =	simm.s32 $0x14100  }
0x145: {  	[tilespmem:s4], [sflag:$0x2] =	stream.indirect_vreg.gather [hbm4b:s5+s2], $0x80, v3, vm0, $0xb8;
	[tilespmem:$0x18100] =	vst v63  }
0x146: {  	s14 =	simm.s32 $0x14900  }
0x147: {  	[tilespmem:s14], [sflag:$0x2] =	stream.indirect_vreg.gather [hbm4b:s6+s2], $0x80, v3, vm0, $0xb8;
	[tilespmem:$0x18100] =	vst v63  }
0x148: {  	v3 =	vld [tilespmem:$0xF0];
	_ =	sdelay $0x4  }
0x149: {  	v63 =	vshrl.u32 v3, $0x3  }
0x14a: {  	v4 =	vmul.u32 $0x30, v63  }
0x14b: {  	v3 =	vand.u32 $0x7, v3  }
0x14c: {  	v3 =	vor.u32 v3, v4  }
0x14d: {  	v4 =	vperm.xlane v3, v0;
	_ =	sdelay $0x1  }
0x14e: {  	v4 =	vadd.s32 v1, v4;
	_ =	sdelay $0x3  }
0x14f: {  	s4 =	simm.s32 $0x15100;
	v3 =	vperm.xlane v3, v2  }
0x150: {  	[tilespmem:s4], [sflag:$0x2] =	stream.indirect_vreg.gather [hbm4b:s3+s2], $0x80, v4, vm0, $0xb8;
	[tilespmem:$0x18100] =	vst v63  }
0x151: {  	s14 =	simm.s32 $0x15900;
	v3 =	vadd.s32 v1, v3  }
0x152: {  	[tilespmem:s14], [sflag:$0x2] =	stream.indirect_vreg.gather [hbm4b:s5+s2], $0x80, v4, vm0, $0xb8;
	[tilespmem:$0x18100] =	vst v63  }
0x153: {  	s4 =	simm.s32 $0x16100  }
0x154: {  	[tilespmem:s4], [sflag:$0x2] =	stream.indirect_vreg.gather [hbm4b:s6+s2], $0x80, v4, vm0, $0xb8;
	[tilespmem:$0x18100] =	vst v63  }
0x155: {  	s14 =	simm.s32 $0x16900  }
0x156: {  	[tilespmem:s14], [sflag:$0x2] =	stream.indirect_vreg.gather [hbm4b:s3+s2], $0x80, v3, vm0, $0xb8;
	[tilespmem:$0x18100] =	vst v63  }
0x157: {  	s4 =	simm.s32 $0x17100  }
0x158: {  	[tilespmem:s4], [sflag:$0x2] =	stream.indirect_vreg.gather [hbm4b:s5+s2], $0x80, v3, vm0, $0xb8;
	[tilespmem:$0x18100] =	vst v63  }
0x159: {  	s14 =	simm.s32 $0x17900  }
0x15a: {  	[tilespmem:s14], [sflag:$0x2] =	stream.indirect_vreg.gather [hbm4b:s6+s2], $0x80, v3, vm0, $0xb8;
	[tilespmem:$0x18100] =	vst v63  }
0x15b: {  	_ =	swait.ge [sflag:s12], $0xC000  }
0x15c: {  	[sflag:s12] =	ssyncset.done $0x0  }
0x15d: {  	[sflag:s12] =	ssyncadd.s32 $0xFFFF4000  }
0x15e: {  	_ =	swait.ge [sflag:s13], $0xC000  }
0x15f: {  	p0 =	sne.s32 s7, $0x1;
	[sflag:s13] =	ssyncset.done $0x0  }
.Ltmp0:
0x160: {  	s4 =	rddreg [dreg:$0x5];
	[sflag:s13] =	ssyncadd.s32 $0xFFFF4000;
	(pc) =	sbr.rel @p0 .LBB2_1-.Ltmp0, $4  }
0x161: {  	[hbm4b:s4+s2] =	stream.linear.scatter [tilespmem:s1], [sflag:$0x3], $0xC000, $0x38;
	[tilespmem:$0x18100] =	vst v63  }
0x162: {  	_ =	swait.ge [sflag:s13], $0xC000  }
0x163: {  	[sflag:s13] =	ssyncset.done $0x0  }
0x164: {  	s7 =	sadd.s32 $0xFFFFFFFF, s7;
	[sflag:s13] =	ssyncadd.s32 $0xFFFF4000  }
0x165: {  	_ =	sfence.sel $0x180000  }
0x166: {  	[bflag:$0x0] =	sbarrier.arrive $0xFFFF  }
0x167: {  	_ =	strace $0x9000004A  }
0x168: {  	s0 =	stileid.u32;
	[bflag:$0x2] =	sbarrier.arrive $0xFFFF  }
0x169: {  	p0 =	sne.s32 s0, $0x0;
	s0 =	rddreg [dreg:$0x1]  }
0x16a: {  	s0 =	sadd.s32 @!p0 $0x100000, s0  }
0x16b: {  	[sflag:s0] =	ssyncadd.tile.s32 @!p0 $0x1;
	_ =	shalt  }
.Lfunc_end2:
_tile_overlayer_lowered:
.L_overlay_start_2:
0x16c: {  	(tag) =	ssettag $0x2  }
0x16d: {  	s0 =	rddreg [dreg:$0x0];
	s2 =	stileid.u32  }
0x16e: {  	s1 =	rddreg [dreg:$0x1];
	p0 =	sne.s32 s2, $0x0  }
0x16f: {  	s3 =	rddreg [dreg:$0x2];
	[bflag:$0x3] =	sbarrier.arrive $0xFFFF;
	s2 =	simm.s32 @!p0 $0x1C04  }
0x170: {  	[timem:s3], [sflag:s2] =	dma.local @!p0 [hbm:s0], s1  }
0x171: {  	s0 =	simm.s32 @!p0 $0x4  }
0x172: {  	_ =	swait.ge @!p0 [sflag:s0], s1  }
0x173: {  	s1 =	ssub.s32 @!p0 $0x0, s1;
	[sflag:s0] =	ssyncset.done @!p0 $0x0  }
0x174: {  	[sflag:s0] =	ssyncadd.s32 @!p0 s1  }
0x175: {  	[bflag:$0x3] =	sbarrier.arrive $0xFFFF  }
0x176: {  	_ =	shalt  }

// kernel: kernel.7.cloned.1.call-start
scs
__scs_entry_jumppad:
0x0: {  	(pc) =	sbr.rel $0x88, $3  }
0x1: {  	(tag) =	ssettag $0x0;
	lr =	simm.s32 $0x1  }
0x2: {  	[smem:$0x3F9C] =	sst lr;
	_ =	strace $0xD0000000  }
0x3: {  	_ = 	snop  }
0x4: {  	_ = 	snop  }
0x5: {  	_ = 	snop  }
0x6: {  	_ = 	snop  }
0x7: {  	_ = 	snop  }
__scs_overlays_trampoline_lowered:
0x8: {  	[smem:$0x3FAB] =	sst s0  }
0x9: {  	[smem:$0x3FAC] =	sst s1  }
0xa: {  	[smem:$0x3FAD] =	sst s2  }
0xb: {  	[smem:$0x3FAE] =	sst s3  }
0xc: {  	[smem:$0x3FAF] =	sst s4  }
0xd: {  	[smem:$0x3FB0] =	sst s5  }
0xe: {  	[smem:$0x3FB1] =	sst s6  }
0xf: {  	[smem:$0x3FB2] =	sst s7  }
0x10: {  	[smem:$0x3FB3] =	sst s8  }
0x11: {  	[smem:$0x3FB4] =	sst s9;
	s0 =	simm.s32 @!p0 $0x0  }
0x12: {  	s1 =	sld [smem:$0x3F9A];
	s0 =	simm.s32 @p0 $0x1  }
0x13: {  	[smem:$0x3FB5] =	sst s0;
	s0 =	simm.s32 @!p1 $0x0  }
0x14: {  	s2 =	sld [smem:$0x3F99];
	s0 =	simm.s32 @p1 $0x1  }
0x15: {  	[smem:$0x3FB6] =	sst s0;
	s0 =	simm.s32 @!p2 $0x0  }
0x16: {  	s3 =	sld [smem:$0x3FDB];
	s0 =	simm.s32 @p2 $0x1  }
0x17: {  	s4 =	simm.s32 $0x1BF5;
	[smem:$0x3FB8] =	sst s0  }
0x18: {  	s0 =	sld [smem:$0x3F9B];
	_ =	swait.ge [sflag:s4], $0x0  }
0x19: {  	s7 =	sld [smem:$0x3F9C]  }
0x1a: {  	s8 =	sadd.s32 $0xFFFFE003, lr  }
0x1b: {  	s9 =	sadd.s32 $0xFFFFFEF7, lr;
	s5 =	simm.s32 $0xFFFFFFFF;
	p2 =	slt.u32 s8, $0xFFFFF086  }
0x1c: {  	p1 =	slt.u32 s9, $0xF7A;
	s5 =	simm.s32 @!p2 $0x0  }
0x1d: {  	s5 =	simm.s32 @p1 $0x1;
	p0 =	seq.s32 s7, s2  }
0x1e: {  	s7 =	smul.u32 @!p0 $0xF7A, s2;
	p2 =	seq.s32 @!p0 s5, $0x0  }
0x1f: {  	s9 =	smul.u32 $0xF7A, s1;
	s8 =	simm.s32 @!p0 $0x1BF5;
	p2 =	por !p2, p0  }
0x20: {  	[sflag:s8] =	ssyncset.s32 @!p0 $0xFFFFF086;
	s6 =	sadd.s32 @!p0 s3, s7;
	s7 =	simm.s32 @!p0 $0x108  }
0x21: {  	s3 =	sadd.s32 s3, s9;
	s6 =	sadd.s32 @!p0 $0x88, s6;
	s7 =	simm.s32 @p2 $0x1082  }
0x22: {  	[simem:s7], [sflag:s8] =	dma.local @!p0 [hbm:s6], $0xF7A  }
0x23: {  	s9 =	sor.u32 $0xD0000000, s2;
	s6 =	simm.s32 $0x108;
	_ =	swait.ge @!p0 [sflag:s8], $0x0  }
0x24: {  	s3 =	sadd.s32 $0x88, s3;
	s6 =	simm.s32 @!p1 $0x1082;
	[sflag:s4] =	ssyncset.s32 $0xFFFFF086  }
0x25: {  	[simem:s6], [sflag:s4] =	dma.local [hbm:s3], $0xF7A  }
0x26: {  	[smem:$0x3F9C] =	sst s1;
	(tag) =	ssettag s2;
	_ =	strace s9  }
0x27: {  	s1 =	sld [smem:$0x3FAC]  }
0x28: {  	s2 =	sld [smem:$0x3FAD]  }
0x29: {  	s4 =	sld [smem:$0x3FAF]  }
0x2a: {  	p0 =	seq.s32 s5, $0x0;
	s5 =	sld [smem:$0x3FB0]  }
0x2b: {  	s6 =	sld [smem:$0x3FB1]  }
0x2c: {  	s7 =	sld [smem:$0x3FB2]  }
0x2d: {  	s3 =	simm.s32 $0x108;
	s8 =	sld [smem:$0x3FB3]  }
0x2e: {  	s3 =	simm.s32 @!p0 $0x1082;
	s9 =	sld [smem:$0x3FB4]  }
0x2f: {  	lr =	sadd.s32 s0, s3;
	s0 =	sld [smem:$0x3FAB]  }
0x30: {  	s3 =	sld [smem:$0x3FAE]  }
0x31: {  	[smem:$0x3FB7] =	sst s10  }
0x32: {  	s10 =	sld [smem:$0x3FB5];
	_ =	sdelay $0x3  }
0x33: {  	p0 =	seq.s32 s10, $0x1;
	s10 =	sld [smem:$0x3FB7];
	_ =	sdelay $0x3  }
0x34: {  	[smem:$0x3FB7] =	sst s10  }
0x35: {  	s10 =	sld [smem:$0x3FB6];
	_ =	sdelay $0x3  }
0x36: {  	p1 =	seq.s32 s10, $0x1;
	s10 =	sld [smem:$0x3FB7];
	_ =	sdelay $0x3  }
0x37: {  	[smem:$0x3FB7] =	sst s10  }
0x38: {  	s10 =	sld [smem:$0x3FB8]  }
0x39: {  	_ = 	snop;
	(pc) =	sbr.ind lr, $3  }
0x3a: {  	_ = 	snop  }
0x3b: {  	_ = 	snop  }
0x3c: {  	p2 =	seq.s32 s10, $0x1;
	s10 =	sld [smem:$0x3FB7]  }
0x3d: {  	_ =	shalt  }
0x3e: {  	_ =	shalt  }
0x3f: {  	_ =	shalt  }
0x40: {  	_ =	shalt  }
0x41: {  	_ =	shalt  }
0x42: {  	_ =	shalt  }
0x43: {  	_ =	shalt  }
0x44: {  	_ =	shalt  }
0x45: {  	_ =	shalt  }
0x46: {  	_ =	shalt  }
0x47: {  	_ =	shalt  }
0x48: {  	_ =	shalt  }
0x49: {  	_ =	shalt  }
0x4a: {  	_ =	shalt  }
0x4b: {  	_ =	shalt  }
0x4c: {  	_ =	shalt  }
0x4d: {  	_ =	shalt  }
0x4e: {  	_ =	shalt  }
0x4f: {  	_ =	shalt  }
0x50: {  	_ =	shalt  }
0x51: {  	_ =	shalt  }
0x52: {  	_ =	shalt  }
0x53: {  	_ =	shalt  }
0x54: {  	_ =	shalt  }
0x55: {  	_ =	shalt  }
0x56: {  	_ =	shalt  }
0x57: {  	_ =	shalt  }
0x58: {  	_ =	shalt  }
0x59: {  	_ =	shalt  }
0x5a: {  	_ =	shalt  }
0x5b: {  	_ =	shalt  }
0x5c: {  	_ =	shalt  }
0x5d: {  	_ =	shalt  }
0x5e: {  	_ =	shalt  }
0x5f: {  	_ =	shalt  }
0x60: {  	_ =	shalt  }
0x61: {  	_ =	shalt  }
0x62: {  	_ =	shalt  }
0x63: {  	_ =	shalt  }
0x64: {  	_ =	shalt  }
0x65: {  	_ =	shalt  }
0x66: {  	_ =	shalt  }
0x67: {  	_ =	shalt  }
0x68: {  	_ =	shalt  }
0x69: {  	_ =	shalt  }
0x6a: {  	_ =	shalt  }
0x6b: {  	_ =	shalt  }
0x6c: {  	_ =	shalt  }
0x6d: {  	_ =	shalt  }
0x6e: {  	_ =	shalt  }
0x6f: {  	_ =	shalt  }
0x70: {  	_ =	shalt  }
0x71: {  	_ =	shalt  }
0x72: {  	_ =	shalt  }
0x73: {  	_ =	shalt  }
0x74: {  	_ =	shalt  }
0x75: {  	_ =	shalt  }
0x76: {  	_ =	shalt  }
0x77: {  	_ =	shalt  }
0x78: {  	_ =	shalt  }
0x79: {  	_ =	shalt  }
0x7a: {  	_ =	shalt  }
0x7b: {  	_ =	shalt  }
0x7c: {  	_ =	shalt  }
0x7d: {  	_ =	shalt  }
0x7e: {  	_ =	shalt  }
0x7f: {  	_ =	shalt  }
0x80: {  	_ =	shalt  }
0x81: {  	_ =	shalt  }
0x82: {  	_ =	shalt  }
0x83: {  	_ =	shalt  }
0x84: {  	_ =	shalt  }
0x85: {  	_ =	shalt  }
0x86: {  	_ =	shalt  }
0x87: {  	_ =	shalt  }
.Lfunc_end0:
.L_simem_size_0:
called_computation_lowered:
.L_overlay_start_0:
0x88: {  	s2 =	sld [smem:$0x3FD9]  }
0x89: {  	s3 =	sld [smem:$0x3FFE];
	_ =	sdelay $0x1  }
0x8a: {  	s1 =	srdreg.scid  }
0x8b: {  	s0 =	sand.u32 $0x1, s1  }
0x8c: {  	s17 =	sshll.u32 s0, $0xA;
	s2 =	sadd.s32 s3, s2  }
0x8d: {  	s2 =	sadd.s32 s2, s17  }
0x8e: {  	[smem:$0x3FC3] =	sst s2  }
0x8f: {  	_ = 	snop  }
0x90: {  	s2 =	sld [smem:$0x3FC9];
	(tm) =	ssettm $0x1  }
0x91: {  	s18 =	sld [smem:$0x3FFB];
	_ =	sdelay $0x3  }
0x92: {  	_ =	strace s18  }
0x93: {  	s3 =	sld [smem:$0x3FFC];
	_ =	sdelay $0x3  }
0x94: {  	_ =	strace s3  }
0x95: {  	s3 =	sld [smem:$0x3FFD];
	_ =	sdelay $0x3  }
0x96: {  	_ =	strace s3  }
0x97: {  	_ =	strace $0x8FFFFFFF  }
0x98: {  	s19 =	sld [smem:$0x3FDB];
	_ =	sdelay $0x1  }
0x99: {  	s4 =	simm.s32 $_scs_section_size  }
0x9a: {  	s5 =	simm.s32 $_size__tile_overlayer_lowered;
	s6 =	simm.s32 $_tile_overlayer_lowered  }
0x9b: {  	s22 =	simm.s32 $0x1BFF;
	s21 =	sshll.u32 s6, $0x1;
	s3 =	sadd.s32 s4, s19  }
0x9c: {  	s7 =	simm.s32 $0x0;
	s20 =	sshll.u32 s5, $0x1;
	s5 =	sadd.s32 s21, s3  }
0x9d: {  	[timem:s7], [sflag:s22] =	dma.local [hbm:s5], s20  }
0x9e: {  	_ =	swait.ge [sflag:s22], s20  }
0x9f: {  	s4 =	ssub.s32 $0x0, s20;
	[sflag:s22] =	ssyncset.done $0x0  }
0xa0: {  	[sflag:s22] =	ssyncadd.s32 s4;
	_ =	sdelay $0x1  }
0xa1: {  	s23 =	simm.s32 $0x1B8B  }
0xa2: {  	_ =	swait.ge [sflag:s23], $0x1  }
0xa3: {  	[sflag:s23] =	ssyncset.done $0x0  }
0xa4: {  	s25 =	simm.s32 $0x1B8E;
	s24 =	sld [smem:$0x3FFE];
	[sflag:s23] =	ssyncadd.s32 $0xFFFFFFFF  }
0xa5: {  	s26 =	simm.s32 $execute0_lowered;
	[smem:$0x3FD2] =	sst s25  }
0xa6: {  	s5 =	sshll.u32 s26, $0x1;
	_ =	strace $0x80000046;
	[dreg:$0x1] =	wrdreg $0xFFFFFFFF  }
0xa7: {  	s28 =	simm.s32 $_size_execute0_lowered;
	s3 =	sadd.s32 s3, s5;
	[dreg:$0x0] =	wrdreg $0x0  }
0xa8: {  	s5 =	sshll.u32 s28, $0x1;
	[dreg:$0x2] =	wrdreg s3  }
0xa9: {  	[dreg:$0x3] =	wrdreg s5  }
0xaa: {  	[dreg:$0x4] =	wrdreg $0xC0  }
0xab: {  	_ =	task [dreg:s7], $0x5FFFF  }
0xac: {  	[dreg:$0x1] =	wrdreg $0xFFFFFFFF  }
0xad: {  	[dreg:$0x0] =	wrdreg $0x60  }
0xae: {  	[dreg:$0x2] =	wrdreg s2  }
0xaf: {  	[dreg:$0x3] =	wrdreg s24  }
0xb0: {  	[dreg:$0x4] =	wrdreg $0x9  }
0xb1: {  	_ =	task.clear_ibuf [dreg:s7], $0x5FFFF;
	_ =	strace $0x90000046  }
0xb2: {  	s29 =	simm.s32 $0x9;
	_ =	strace $0x80000048  }
0xb3: {  	_ =	swait.ge [sflag:s29], $0x1  }
0xb4: {  	[sflag:s29] =	ssyncadd.s32 $0xFFFFFFFF  }
0xb5: {  	_ =	strace $0x90000048  }
0xb6: {  	_ =	sfence  }
0xb7: {  	s30 =	sld [smem:$0x0];
	_ =	sdelay $0x2  }
0xb8: {  	s31 =	sshll.u32 s1, $0xD;
	s1 =	sshrl.u32 s1, $0x2  }
0xb9: {  	s3 =	sand.u32 $0x4000, s31;
	s1 =	sadd.s32 s1, s30  }
0xba: {  	s0 =	sor.u32 s3, s0;
	s1 =	sshll.u32 s1, $0x11  }
0xbb: {  	s0 =	sor.u32 s1, s0  }
0xbc: {  	s0 =	sadd.s32 $0x8F2B, s0  }
0xbd: {  	[sflag:s0] =	ssyncadd.remote.s32 $0x1  }
0xbe: {  	_ =	sfence.sel $0xFFFF  }
0xbf: {  	[dreg:$0x0] =	wrdreg $0xFFFFFFFF;
	(pc) =	sbr.abs _section_cstart, $3  }
0xc0: {  	[dreg:$0x1] =	wrdreg $0xFFFFFFFF  }
0xc1: {  	_ =	task.clear_ibuf [dreg:s7], $0x2FFFF;
	_ =	strace $0x9FFFFFFF  }
0xc2: {  	(tm) =	ssettm $0x7FFFFFFF  }
0xc3: {  	_ =	shalt  }
tec
execute0_lowered:
.L_overlay_start_1:
0x0: {  	(tag) =	ssettag $0x1  }
0x1: {  	s0 =	rddreg [dreg:$0x0]  }
0x2: {  	s1 =	srdreg.scid;
	s2 =	stileid.u32  }
0x3: {  	s5 =	rddreg [dreg:$0x1];
	s30 =	simm.s32 $0x100;
	s15 =	simm.s32 $0x3  }
0x4: {  	s10 =	simm.s32 $0xC200;
	s1 =	sand.u32 $0x1, s1;
	s3 =	sshll.u32 s2, $0x1  }
0x5: {  	s31 =	simm.s32 $0x7A00;
	s2 =	simm.s32 $0x0;
	s3 =	sor.u32 s1, s3  }
0x6: {  	[smem:$0x7FF] =	sst s2;
	s1 =	ssub.s32 $0x2, s1;
	s4 =	sshll.u32 s3, $0x5  }
0x7: {  	_ =	strace $0x80000047;
	s6 =	smul.u32 $0x18000, s3;
	s4 =	sadd.s32 s4, s5  }
0x8: {  	s3 =	smul.u32 $0x3000, s3;
	[dreg:$0x7] =	wrdreg s30;
	s7 =	sadd.s32 $0x1200, s4  }
0x9: {  	s29 =	sshrl.u32 s1, $0x1;
	s4 =	sadd.s32 $0x1600, s4;
	[dreg:$0x3] =	wrdreg s7  }
0xa: {  	s6 =	sshrl.u32 s6, $0x3;
	s3 =	sadd.s32 s0, s3;
	[dreg:$0x4] =	wrdreg s4  }
0xb: {  	v2 =	vlaneseq.u32;
	s1 =	ssub.s32 s1, s29;
	s0 =	sadd.s32 s0, s6;
	[dreg:$0x5] =	wrdreg s3  }
0xc: {  	vm0 =	vmmov $0xffff;
	v1 =	vshrl.u32 v2, $0x3;
	s3 =	sadd.s32 $0x1A00, s5;
	s4 =	sadd.s32 $0x1B00, s5;
	s0 =	sadd.s32 $0x1800, s0  }
0xd: {  	v0 =	vand.u32 $0x7, v2;
	v2 =	vor.u32 $0x8, v2;
	v1 =	vmul.u32 $0x8, v1;
	s5 =	sadd.s32 $0x1C00, s5;
	s6 =	smax.u32 s1, $0x1;
	[dreg:$0x6] =	wrdreg s0  }
.LBB2_1:
0xe: {  	s16 =	rddreg [dreg:$0x3];
	s0 =	simm.s32 $0x4  }
0xf: {  	[tilespmem:s2], [sflag:$0x4] =	stream.linear.gather [hbm4b:s16+s2], $0x100, $0x38;
	[tilespmem:$0x18200] =	vst v63  }
0x10: {  	_ =	swait.ge [sflag:s0], $0x100  }
0x11: {  	s25 =	rddreg [dreg:$0x4];
	[sflag:s0] =	ssyncset.done $0x0  }
0x12: {  	s17 =	rddreg [dreg:$0x7];
	[sflag:s0] =	ssyncadd.s32 $0xFFFFFF00  }
0x13: {  	[tilespmem:s17], [sflag:$0x4] =	stream.linear.gather [hbm4b:s25+s2], $0x100, $0x38;
	[tilespmem:$0x18200] =	vst v63  }
0x14: {  	_ =	swait.ge [sflag:s0], $0x100  }
0x15: {  	[sflag:s0] =	ssyncset.done $0x0  }
0x16: {  	s9 =	simm.s32 $0x200;
	s26 =	rddreg [dreg:$0x5];
	[sflag:s0] =	ssyncadd.s32 $0xFFFFFF00  }
0x17: {  	[tilespmem:s9], [sflag:$0x1] =	stream.linear.gather [hbm4b:s26+s2], $0xC000, $0x38;
	[tilespmem:$0x18200] =	vst v63  }
0x18: {  	s29 =	simm.s32 $0x1;
	s28 =	rddreg [dreg:$0x6]  }
0x19: {  	[tilespmem:s10], [sflag:$0x2] =	stream.linear.gather [hbm4b:s28+s2], $0xC000, $0x38;
	[tilespmem:$0x18200] =	vst v63  }
0x1a: {  	_ =	swait.ge [sflag:s29], $0xC000  }
0x1b: {  	[sflag:s29] =	ssyncset.done $0x0  }
0x1c: {  	[sflag:s29] =	ssyncadd.s32 $0xFFFF4000  }
0x1d: {  	v3 =	vld [tilespmem:$0x0];
	_ =	sdelay $0x4  }
0x1e: {  	v4 =	vshrl.u32 v3, $0x3  }
0x1f: {  	v4 =	vmul.u32 $0x30, v4  }
0x20: {  	v3 =	vand.u32 $0x7, v3  }
0x21: {  	v3 =	vor.u32 v3, v4  }
0x22: {  	v4 =	vperm.xlane v3, v0;
	_ =	sdelay $0x1  }
0x23: {  	v4 =	vadd.s32 v1, v4;
	_ =	sdelay $0x3  }
0x24: {  	v3 =	vperm.xlane v3, v2  }
0x25: {  	[hbm4b:s3+s2] =	stream.indirect_vreg.scatter [tilespmem:s9], [sflag:$0x3], $0x80, v4, vm0, $0xb8;
	[tilespmem:$0x18200] =	vst v63  }
0x26: {  	s16 =	simm.s32 $0xA00;
	v3 =	vadd.s32 v1, v3  }
0x27: {  	[hbm4b:s4+s2] =	stream.indirect_vreg.scatter [tilespmem:s16], [sflag:$0x3], $0x80, v4, vm0, $0xb8;
	[tilespmem:$0x18200] =	vst v63  }
0x28: {  	s17 =	simm.s32 $0x1200  }
0x29: {  	[hbm4b:s5+s2] =	stream.indirect_vreg.scatter [tilespmem:s17], [sflag:$0x3], $0x80, v4, vm0, $0xb8;
	[tilespmem:$0x18200] =	vst v63  }
0x2a: {  	s18 =	simm.s32 $0x1A00  }
0x2b: {  	[hbm4b:s3+s2] =	stream.indirect_vreg.scatter [tilespmem:s18], [sflag:$0x3], $0x80, v3, vm0, $0xb8;
	[tilespmem:$0x18200] =	vst v63  }
0x2c: {  	s19 =	simm.s32 $0x2200  }
0x2d: {  	[hbm4b:s4+s2] =	stream.indirect_vreg.scatter [tilespmem:s19], [sflag:$0x3], $0x80, v3, vm0, $0xb8;
	[tilespmem:$0x18200] =	vst v63  }
0x2e: {  	s20 =	simm.s32 $0x2A00  }
0x2f: {  	[hbm4b:s5+s2] =	stream.indirect_vreg.scatter [tilespmem:s20], [sflag:$0x3], $0x80, v3, vm0, $0xb8;
	[tilespmem:$0x18200] =	vst v63  }
0x30: {  	v3 =	vld [tilespmem:$0x10];
	_ =	sdelay $0x4  }
0x31: {  	v49 =	vshrl.u32 v3, $0x3  }
0x32: {  	v4 =	vmul.u32 $0x30, v49  }
0x33: {  	v3 =	vand.u32 $0x7, v3  }
0x34: {  	v3 =	vor.u32 v3, v4  }
0x35: {  	v4 =	vperm.xlane v3, v0;
	_ =	sdelay $0x1  }
0x36: {  	v4 =	vadd.s32 v1, v4;
	_ =	sdelay $0x3  }
0x37: {  	s21 =	simm.s32 $0x3200;
	v3 =	vperm.xlane v3, v2  }
0x38: {  	[hbm4b:s3+s2] =	stream.indirect_vreg.scatter [tilespmem:s21], [sflag:$0x3], $0x80, v4, vm0, $0xb8;
	[tilespmem:$0x18200] =	vst v63  }
0x39: {  	s22 =	simm.s32 $0x3A00;
	v3 =	vadd.s32 v1, v3  }
0x3a: {  	[hbm4b:s4+s2] =	stream.indirect_vreg.scatter [tilespmem:s22], [sflag:$0x3], $0x80, v4, vm0, $0xb8;
	[tilespmem:$0x18200] =	vst v63  }
0x3b: {  	s23 =	simm.s32 $0x4200  }
0x3c: {  	[hbm4b:s5+s2] =	stream.indirect_vreg.scatter [tilespmem:s23], [sflag:$0x3], $0x80, v4, vm0, $0xb8;
	[tilespmem:$0x18200] =	vst v63  }
0x3d: {  	s24 =	simm.s32 $0x4A00  }
0x3e: {  	[hbm4b:s3+s2] =	stream.indirect_vreg.scatter [tilespmem:s24], [sflag:$0x3], $0x80, v3, vm0, $0xb8;
	[tilespmem:$0x18200] =	vst v63  }
0x3f: {  	s25 =	simm.s32 $0x5200  }
0x40: {  	[hbm4b:s4+s2] =	stream.indirect_vreg.scatter [tilespmem:s25], [sflag:$0x3], $0x80, v3, vm0, $0xb8;
	[tilespmem:$0x18200] =	vst v63  }
0x41: {  	s26 =	simm.s32 $0x5A00  }
0x42: {  	[hbm4b:s5+s2] =	stream.indirect_vreg.scatter [tilespmem:s26], [sflag:$0x3], $0x80, v3, vm0, $0xb8;
	[tilespmem:$0x18200] =	vst v63  }
0x43: {  	v3 =	vld [tilespmem:$0x20];
	_ =	sdelay $0x4  }
0x44: {  	v50 =	vshrl.u32 v3, $0x3  }
0x45: {  	v4 =	vmul.u32 $0x30, v50  }
0x46: {  	v3 =	vand.u32 $0x7, v3  }
0x47: {  	v3 =	vor.u32 v3, v4  }
0x48: {  	v4 =	vperm.xlane v3, v0;
	_ =	sdelay $0x1  }
0x49: {  	v4 =	vadd.s32 v1, v4;
	_ =	sdelay $0x3  }
0x4a: {  	s28 =	simm.s32 $0x6200;
	v3 =	vperm.xlane v3, v2  }
0x4b: {  	[hbm4b:s3+s2] =	stream.indirect_vreg.scatter [tilespmem:s28], [sflag:$0x3], $0x80, v4, vm0, $0xb8;
	[tilespmem:$0x18200] =	vst v63  }
0x4c: {  	s29 =	simm.s32 $0x6A00;
	v3 =	vadd.s32 v1, v3  }
0x4d: {  	[hbm4b:s4+s2] =	stream.indirect_vreg.scatter [tilespmem:s29], [sflag:$0x3], $0x80, v4, vm0, $0xb8;
	[tilespmem:$0x18200] =	vst v63  }
0x4e: {  	s30 =	simm.s32 $0x7200  }
0x4f: {  	[hbm4b:s5+s2] =	stream.indirect_vreg.scatter [tilespmem:s30], [sflag:$0x3], $0x80, v4, vm0, $0xb8;
	[tilespmem:$0x18200] =	vst v63  }
0x50: {  	_ = 	snop  }
0x51: {  	[hbm4b:s3+s2] =	stream.indirect_vreg.scatter [tilespmem:s31], [sflag:$0x3], $0x80, v3, vm0, $0xb8;
	[tilespmem:$0x18200] =	vst v63  }
0x52: {  	s1 =	simm.s32 $0x8200  }
0x53: {  	[hbm4b:s4+s2] =	stream.indirect_vreg.scatter [tilespmem:s1], [sflag:$0x3], $0x80, v3, vm0, $0xb8;
	[tilespmem:$0x18200] =	vst v63  }
0x54: {  	s0 =	simm.s32 $0x8A00  }
0x55: {  	[hbm4b:s5+s2] =	stream.indirect_vreg.scatter [tilespmem:s0], [sflag:$0x3], $0x80, v3, vm0, $0xb8;
	[tilespmem:$0x18200] =	vst v63  }
0x56: {  	v3 =	vld [tilespmem:$0x30];
	_ =	sdelay $0x4  }
0x57: {  	v51 =	vshrl.u32 v3, $0x3  }
0x58: {  	v4 =	vmul.u32 $0x30, v51  }
0x59: {  	v3 =	vand.u32 $0x7, v3  }
0x5a: {  	v3 =	vor.u32 v3, v4  }
0x5b: {  	v4 =	vperm.xlane v3, v0;
	_ =	sdelay $0x1  }
0x5c: {  	v4 =	vadd.s32 v1, v4;
	_ =	sdelay $0x3  }
0x5d: {  	s11 =	simm.s32 $0x9200;
	v3 =	vperm.xlane v3, v2  }
0x5e: {  	[hbm4b:s3+s2] =	stream.indirect_vreg.scatter [tilespmem:s11], [sflag:$0x3], $0x80, v4, vm0, $0xb8;
	[tilespmem:$0x18200] =	vst v63  }
0x5f: {  	s13 =	simm.s32 $0x9A00;
	v3 =	vadd.s32 v1, v3  }
0x60: {  	[hbm4b:s4+s2] =	stream.indirect_vreg.scatter [tilespmem:s13], [sflag:$0x3], $0x80, v4, vm0, $0xb8;
	[tilespmem:$0x18200] =	vst v63  }
0x61: {  	s14 =	simm.s32 $0xA200  }
0x62: {  	[hbm4b:s5+s2] =	stream.indirect_vreg.scatter [tilespmem:s14], [sflag:$0x3], $0x80, v4, vm0, $0xb8;
	[tilespmem:$0x18200] =	vst v63  }
0x63: {  	s8 =	simm.s32 $0xAA00  }
0x64: {  	[hbm4b:s3+s2] =	stream.indirect_vreg.scatter [tilespmem:s8], [sflag:$0x3], $0x80, v3, vm0, $0xb8;
	[tilespmem:$0x18200] =	vst v63  }
0x65: {  	s12 =	simm.s32 $0xB200  }
0x66: {  	[hbm4b:s4+s2] =	stream.indirect_vreg.scatter [tilespmem:s12], [sflag:$0x3], $0x80, v3, vm0, $0xb8;
	[tilespmem:$0x18200] =	vst v63  }
0x67: {  	s7 =	simm.s32 $0xBA00  }
0x68: {  	[hbm4b:s5+s2] =	stream.indirect_vreg.scatter [tilespmem:s7], [sflag:$0x3], $0x80, v3, vm0, $0xb8;
	[tilespmem:$0x18200] =	vst v63  }
0x69: {  	v3 =	vld [tilespmem:$0x100];
	_ =	sdelay $0x4  }
0x6a: {  	v52 =	vshrl.u32 v3, $0x3  }
0x6b: {  	v4 =	vmul.u32 $0x30, v52  }
0x6c: {  	v3 =	vand.u32 $0x7, v3  }
0x6d: {  	v3 =	vor.u32 v3, v4  }
0x6e: {  	v4 =	vperm.xlane v3, v0;
	_ =	sdelay $0x1  }
0x6f: {  	v4 =	vadd.s32 v1, v4;
	_ =	sdelay $0x3  }
0x70: {  	v3 =	vperm.xlane v3, v2  }
0x71: {  	[hbm4b:s3+s2] =	stream.indirect_vreg.scatter [tilespmem:s9], [sflag:$0x3], $0x80, v4, vm0, $0xb8;
	[tilespmem:$0x18200] =	vst v63  }
0x72: {  	v3 =	vadd.s32 v1, v3  }
0x73: {  	[hbm4b:s4+s2] =	stream.indirect_vreg.scatter [tilespmem:s16], [sflag:$0x3], $0x80, v4, vm0, $0xb8;
	[tilespmem:$0x18200] =	vst v63  }
0x74: {  	_ = 	snop  }
0x75: {  	[hbm4b:s5+s2] =	stream.indirect_vreg.scatter [tilespmem:s17], [sflag:$0x3], $0x80, v4, vm0, $0xb8;
	[tilespmem:$0x18200] =	vst v63  }
0x76: {  	_ = 	snop  }
0x77: {  	[hbm4b:s3+s2] =	stream.indirect_vreg.scatter [tilespmem:s18], [sflag:$0x3], $0x80, v3, vm0, $0xb8;
	[tilespmem:$0x18200] =	vst v63  }
0x78: {  	_ = 	snop  }
0x79: {  	[hbm4b:s4+s2] =	stream.indirect_vreg.scatter [tilespmem:s19], [sflag:$0x3], $0x80, v3, vm0, $0xb8;
	[tilespmem:$0x18200] =	vst v63  }
0x7a: {  	_ = 	snop  }
0x7b: {  	[hbm4b:s5+s2] =	stream.indirect_vreg.scatter [tilespmem:s20], [sflag:$0x3], $0x80, v3, vm0, $0xb8;
	[tilespmem:$0x18200] =	vst v63  }
0x7c: {  	v3 =	vld [tilespmem:$0x110];
	_ =	sdelay $0x4  }
0x7d: {  	v53 =	vshrl.u32 v3, $0x3  }
0x7e: {  	v4 =	vmul.u32 $0x30, v53  }
0x7f: {  	v3 =	vand.u32 $0x7, v3  }
0x80: {  	v3 =	vor.u32 v3, v4  }
0x81: {  	v4 =	vperm.xlane v3, v0;
	_ =	sdelay $0x1  }
0x82: {  	v4 =	vadd.s32 v1, v4;
	_ =	sdelay $0x3  }
0x83: {  	v3 =	vperm.xlane v3, v2  }
0x84: {  	[hbm4b:s3+s2] =	stream.indirect_vreg.scatter [tilespmem:s21], [sflag:$0x3], $0x80, v4, vm0, $0xb8;
	[tilespmem:$0x18200] =	vst v63  }
0x85: {  	v3 =	vadd.s32 v1, v3  }
0x86: {  	[hbm4b:s4+s2] =	stream.indirect_vreg.scatter [tilespmem:s22], [sflag:$0x3], $0x80, v4, vm0, $0xb8;
	[tilespmem:$0x18200] =	vst v63  }
0x87: {  	_ = 	snop  }
0x88: {  	[hbm4b:s5+s2] =	stream.indirect_vreg.scatter [tilespmem:s23], [sflag:$0x3], $0x80, v4, vm0, $0xb8;
	[tilespmem:$0x18200] =	vst v63  }
0x89: {  	_ = 	snop  }
0x8a: {  	[hbm4b:s3+s2] =	stream.indirect_vreg.scatter [tilespmem:s24], [sflag:$0x3], $0x80, v3, vm0, $0xb8;
	[tilespmem:$0x18200] =	vst v63  }
0x8b: {  	_ = 	snop  }
0x8c: {  	[hbm4b:s4+s2] =	stream.indirect_vreg.scatter [tilespmem:s25], [sflag:$0x3], $0x80, v3, vm0, $0xb8;
	[tilespmem:$0x18200] =	vst v63  }
0x8d: {  	_ = 	snop  }
0x8e: {  	[hbm4b:s5+s2] =	stream.indirect_vreg.scatter [tilespmem:s26], [sflag:$0x3], $0x80, v3, vm0, $0xb8;
	[tilespmem:$0x18200] =	vst v63  }
0x8f: {  	v3 =	vld [tilespmem:$0x120];
	_ =	sdelay $0x4  }
0x90: {  	v54 =	vshrl.u32 v3, $0x3  }
0x91: {  	v4 =	vmul.u32 $0x30, v54  }
0x92: {  	v3 =	vand.u32 $0x7, v3  }
0x93: {  	v3 =	vor.u32 v3, v4  }
0x94: {  	v4 =	vperm.xlane v3, v0;
	_ =	sdelay $0x1  }
0x95: {  	v4 =	vadd.s32 v1, v4;
	_ =	sdelay $0x3  }
0x96: {  	v3 =	vperm.xlane v3, v2  }
0x97: {  	[hbm4b:s3+s2] =	stream.indirect_vreg.scatter [tilespmem:s28], [sflag:$0x3], $0x80, v4, vm0, $0xb8;
	[tilespmem:$0x18200] =	vst v63  }
0x98: {  	v3 =	vadd.s32 v1, v3  }
0x99: {  	[hbm4b:s4+s2] =	stream.indirect_vreg.scatter [tilespmem:s29], [sflag:$0x3], $0x80, v4, vm0, $0xb8;
	[tilespmem:$0x18200] =	vst v63  }
0x9a: {  	_ = 	snop  }
0x9b: {  	[hbm4b:s5+s2] =	stream.indirect_vreg.scatter [tilespmem:s30], [sflag:$0x3], $0x80, v4, vm0, $0xb8;
	[tilespmem:$0x18200] =	vst v63  }
0x9c: {  	_ = 	snop  }
0x9d: {  	[hbm4b:s3+s2] =	stream.indirect_vreg.scatter [tilespmem:s31], [sflag:$0x3], $0x80, v3, vm0, $0xb8;
	[tilespmem:$0x18200] =	vst v63  }
0x9e: {  	_ = 	snop  }
0x9f: {  	[hbm4b:s4+s2] =	stream.indirect_vreg.scatter [tilespmem:s1], [sflag:$0x3], $0x80, v3, vm0, $0xb8;
	[tilespmem:$0x18200] =	vst v63  }
0xa0: {  	_ = 	snop  }
0xa1: {  	[hbm4b:s5+s2] =	stream.indirect_vreg.scatter [tilespmem:s0], [sflag:$0x3], $0x80, v3, vm0, $0xb8;
	[tilespmem:$0x18200] =	vst v63  }
0xa2: {  	v3 =	vld [tilespmem:$0x130];
	_ =	sdelay $0x4  }
0xa3: {  	v55 =	vshrl.u32 v3, $0x3  }
0xa4: {  	v4 =	vmul.u32 $0x30, v55  }
0xa5: {  	v3 =	vand.u32 $0x7, v3  }
0xa6: {  	v3 =	vor.u32 v3, v4  }
0xa7: {  	v4 =	vperm.xlane v3, v0;
	_ =	sdelay $0x1  }
0xa8: {  	v4 =	vadd.s32 v1, v4;
	_ =	sdelay $0x3  }
0xa9: {  	v3 =	vperm.xlane v3, v2  }
0xaa: {  	[hbm4b:s3+s2] =	stream.indirect_vreg.scatter [tilespmem:s11], [sflag:$0x3], $0x80, v4, vm0, $0xb8;
	[tilespmem:$0x18200] =	vst v63  }
0xab: {  	v3 =	vadd.s32 v1, v3  }
0xac: {  	[hbm4b:s4+s2] =	stream.indirect_vreg.scatter [tilespmem:s13], [sflag:$0x3], $0x80, v4, vm0, $0xb8;
	[tilespmem:$0x18200] =	vst v63  }
0xad: {  	_ = 	snop  }
0xae: {  	[hbm4b:s5+s2] =	stream.indirect_vreg.scatter [tilespmem:s14], [sflag:$0x3], $0x80, v4, vm0, $0xb8;
	[tilespmem:$0x18200] =	vst v63  }
0xaf: {  	_ = 	snop  }
0xb0: {  	[hbm4b:s3+s2] =	stream.indirect_vreg.scatter [tilespmem:s8], [sflag:$0x3], $0x80, v3, vm0, $0xb8;
	[tilespmem:$0x18200] =	vst v63  }
0xb1: {  	_ = 	snop  }
0xb2: {  	[hbm4b:s4+s2] =	stream.indirect_vreg.scatter [tilespmem:s12], [sflag:$0x3], $0x80, v3, vm0, $0xb8;
	[tilespmem:$0x18200] =	vst v63  }
0xb3: {  	s30 =	simm.s32 $0x2  }
0xb4: {  	[hbm4b:s5+s2] =	stream.indirect_vreg.scatter [tilespmem:s7], [sflag:$0x3], $0x80, v3, vm0, $0xb8;
	[tilespmem:$0x18200] =	vst v63  }
0xb5: {  	_ =	swait.ge [sflag:s30], $0xC000  }
0xb6: {  	[sflag:s30] =	ssyncset.done $0x0  }
0xb7: {  	[sflag:s30] =	ssyncadd.s32 $0xFFFF4000  }
0xb8: {  	v3 =	vld [tilespmem:$0x80];
	_ =	sdelay $0x4  }
0xb9: {  	v56 =	vshrl.u32 v3, $0x3  }
0xba: {  	v4 =	vmul.u32 $0x30, v56  }
0xbb: {  	v3 =	vand.u32 $0x7, v3  }
0xbc: {  	v3 =	vor.u32 v3, v4  }
0xbd: {  	v4 =	vperm.xlane v3, v0;
	_ =	sdelay $0x1  }
0xbe: {  	v4 =	vadd.s32 v1, v4;
	_ =	sdelay $0x3  }
0xbf: {  	v3 =	vperm.xlane v3, v2  }
0xc0: {  	[hbm4b:s3+s2] =	stream.indirect_vreg.scatter [tilespmem:s10], [sflag:$0x3], $0x80, v4, vm0, $0xb8;
	[tilespmem:$0x18200] =	vst v63  }
0xc1: {  	s0 =	simm.s32 $0xCA00;
	v3 =	vadd.s32 v1, v3  }
0xc2: {  	[hbm4b:s4+s2] =	stream.indirect_vreg.scatter [tilespmem:s0], [sflag:$0x3], $0x80, v4, vm0, $0xb8;
	[tilespmem:$0x18200] =	vst v63  }
0xc3: {  	s1 =	simm.s32 $0xD200  }
0xc4: {  	[hbm4b:s5+s2] =	stream.indirect_vreg.scatter [tilespmem:s1], [sflag:$0x3], $0x80, v4, vm0, $0xb8;
	[tilespmem:$0x18200] =	vst v63  }
0xc5: {  	s7 =	simm.s32 $0xDA00  }
0xc6: {  	[hbm4b:s3+s2] =	stream.indirect_vreg.scatter [tilespmem:s7], [sflag:$0x3], $0x80, v3, vm0, $0xb8;
	[tilespmem:$0x18200] =	vst v63  }
0xc7: {  	s8 =	simm.s32 $0xE200  }
0xc8: {  	[hbm4b:s4+s2] =	stream.indirect_vreg.scatter [tilespmem:s8], [sflag:$0x3], $0x80, v3, vm0, $0xb8;
	[tilespmem:$0x18200] =	vst v63  }
0xc9: {  	s9 =	simm.s32 $0xEA00  }
0xca: {  	[hbm4b:s5+s2] =	stream.indirect_vreg.scatter [tilespmem:s9], [sflag:$0x3], $0x80, v3, vm0, $0xb8;
	[tilespmem:$0x18200] =	vst v63  }
0xcb: {  	v3 =	vld [tilespmem:$0x90];
	_ =	sdelay $0x4  }
0xcc: {  	v57 =	vshrl.u32 v3, $0x3  }
0xcd: {  	v4 =	vmul.u32 $0x30, v57  }
0xce: {  	v3 =	vand.u32 $0x7, v3  }
0xcf: {  	v3 =	vor.u32 v3, v4  }
0xd0: {  	v4 =	vperm.xlane v3, v0;
	_ =	sdelay $0x1  }
0xd1: {  	v4 =	vadd.s32 v1, v4;
	_ =	sdelay $0x3  }
0xd2: {  	s11 =	simm.s32 $0xF200;
	v3 =	vperm.xlane v3, v2  }
0xd3: {  	[hbm4b:s3+s2] =	stream.indirect_vreg.scatter [tilespmem:s11], [sflag:$0x3], $0x80, v4, vm0, $0xb8;
	[tilespmem:$0x18200] =	vst v63  }
0xd4: {  	s12 =	simm.s32 $0xFA00;
	v3 =	vadd.s32 v1, v3  }
0xd5: {  	[hbm4b:s4+s2] =	stream.indirect_vreg.scatter [tilespmem:s12], [sflag:$0x3], $0x80, v4, vm0, $0xb8;
	[tilespmem:$0x18200] =	vst v63  }
0xd6: {  	s13 =	simm.s32 $0x10200  }
0xd7: {  	[hbm4b:s5+s2] =	stream.indirect_vreg.scatter [tilespmem:s13], [sflag:$0x3], $0x80, v4, vm0, $0xb8;
	[tilespmem:$0x18200] =	vst v63  }
0xd8: {  	s14 =	simm.s32 $0x10A00  }
0xd9: {  	[hbm4b:s3+s2] =	stream.indirect_vreg.scatter [tilespmem:s14], [sflag:$0x3], $0x80, v3, vm0, $0xb8;
	[tilespmem:$0x18200] =	vst v63  }
0xda: {  	s16 =	simm.s32 $0x11200  }
0xdb: {  	[hbm4b:s4+s2] =	stream.indirect_vreg.scatter [tilespmem:s16], [sflag:$0x3], $0x80, v3, vm0, $0xb8;
	[tilespmem:$0x18200] =	vst v63  }
0xdc: {  	s17 =	simm.s32 $0x11A00  }
0xdd: {  	[hbm4b:s5+s2] =	stream.indirect_vreg.scatter [tilespmem:s17], [sflag:$0x3], $0x80, v3, vm0, $0xb8;
	[tilespmem:$0x18200] =	vst v63  }
0xde: {  	v3 =	vld [tilespmem:$0xA0];
	_ =	sdelay $0x4  }
0xdf: {  	v58 =	vshrl.u32 v3, $0x3  }
0xe0: {  	v4 =	vmul.u32 $0x30, v58  }
0xe1: {  	v3 =	vand.u32 $0x7, v3  }
0xe2: {  	v3 =	vor.u32 v3, v4  }
0xe3: {  	v4 =	vperm.xlane v3, v0;
	_ =	sdelay $0x1  }
0xe4: {  	v4 =	vadd.s32 v1, v4;
	_ =	sdelay $0x3  }
0xe5: {  	s18 =	simm.s32 $0x12200;
	v3 =	vperm.xlane v3, v2  }
0xe6: {  	[hbm4b:s3+s2] =	stream.indirect_vreg.scatter [tilespmem:s18], [sflag:$0x3], $0x80, v4, vm0, $0xb8;
	[tilespmem:$0x18200] =	vst v63  }
0xe7: {  	s19 =	simm.s32 $0x12A00;
	v3 =	vadd.s32 v1, v3  }
0xe8: {  	[hbm4b:s4+s2] =	stream.indirect_vreg.scatter [tilespmem:s19], [sflag:$0x3], $0x80, v4, vm0, $0xb8;
	[tilespmem:$0x18200] =	vst v63  }
0xe9: {  	s20 =	simm.s32 $0x13200  }
0xea: {  	[hbm4b:s5+s2] =	stream.indirect_vreg.scatter [tilespmem:s20], [sflag:$0x3], $0x80, v4, vm0, $0xb8;
	[tilespmem:$0x18200] =	vst v63  }
0xeb: {  	s21 =	simm.s32 $0x13A00  }
0xec: {  	[hbm4b:s3+s2] =	stream.indirect_vreg.scatter [tilespmem:s21], [sflag:$0x3], $0x80, v3, vm0, $0xb8;
	[tilespmem:$0x18200] =	vst v63  }
0xed: {  	s22 =	simm.s32 $0x14200  }
0xee: {  	[hbm4b:s4+s2] =	stream.indirect_vreg.scatter [tilespmem:s22], [sflag:$0x3], $0x80, v3, vm0, $0xb8;
	[tilespmem:$0x18200] =	vst v63  }
0xef: {  	s23 =	simm.s32 $0x14A00  }
0xf0: {  	[hbm4b:s5+s2] =	stream.indirect_vreg.scatter [tilespmem:s23], [sflag:$0x3], $0x80, v3, vm0, $0xb8;
	[tilespmem:$0x18200] =	vst v63  }
0xf1: {  	v3 =	vld [tilespmem:$0xB0];
	_ =	sdelay $0x4  }
0xf2: {  	v59 =	vshrl.u32 v3, $0x3  }
0xf3: {  	v4 =	vmul.u32 $0x30, v59  }
0xf4: {  	v3 =	vand.u32 $0x7, v3  }
0xf5: {  	v3 =	vor.u32 v3, v4  }
0xf6: {  	v4 =	vperm.xlane v3, v0;
	_ =	sdelay $0x1  }
0xf7: {  	v4 =	vadd.s32 v1, v4;
	_ =	sdelay $0x3  }
0xf8: {  	s24 =	simm.s32 $0x15200;
	v3 =	vperm.xlane v3, v2  }
0xf9: {  	[hbm4b:s3+s2] =	stream.indirect_vreg.scatter [tilespmem:s24], [sflag:$0x3], $0x80, v4, vm0, $0xb8;
	[tilespmem:$0x18200] =	vst v63  }
0xfa: {  	s25 =	simm.s32 $0x15A00;
	v3 =	vadd.s32 v1, v3  }
0xfb: {  	[hbm4b:s4+s2] =	stream.indirect_vreg.scatter [tilespmem:s25], [sflag:$0x3], $0x80, v4, vm0, $0xb8;
	[tilespmem:$0x18200] =	vst v63  }
0xfc: {  	s26 =	simm.s32 $0x16200  }
0xfd: {  	[hbm4b:s5+s2] =	stream.indirect_vreg.scatter [tilespmem:s26], [sflag:$0x3], $0x80, v4, vm0, $0xb8;
	[tilespmem:$0x18200] =	vst v63  }
0xfe: {  	s28 =	simm.s32 $0x16A00  }
0xff: {  	[hbm4b:s3+s2] =	stream.indirect_vreg.scatter [tilespmem:s28], [sflag:$0x3], $0x80, v3, vm0, $0xb8;
	[tilespmem:$0x18200] =	vst v63  }
0x100: {  	s29 =	simm.s32 $0x17200  }
0x101: {  	[hbm4b:s4+s2] =	stream.indirect_vreg.scatter [tilespmem:s29], [sflag:$0x3], $0x80, v3, vm0, $0xb8;
	[tilespmem:$0x18200] =	vst v63  }
0x102: {  	s30 =	simm.s32 $0x17A00  }
0x103: {  	[hbm4b:s5+s2] =	stream.indirect_vreg.scatter [tilespmem:s30], [sflag:$0x3], $0x80, v3, vm0, $0xb8;
	[tilespmem:$0x18200] =	vst v63  }
0x104: {  	v3 =	vld [tilespmem:$0x180];
	_ =	sdelay $0x4  }
0x105: {  	v60 =	vshrl.u32 v3, $0x3  }
0x106: {  	v4 =	vmul.u32 $0x30, v60  }
0x107: {  	v3 =	vand.u32 $0x7, v3  }
0x108: {  	v3 =	vor.u32 v3, v4  }
0x109: {  	v4 =	vperm.xlane v3, v0;
	_ =	sdelay $0x1  }
0x10a: {  	v4 =	vadd.s32 v1, v4;
	_ =	sdelay $0x3  }
0x10b: {  	v3 =	vperm.xlane v3, v2  }
0x10c: {  	[hbm4b:s3+s2] =	stream.indirect_vreg.scatter [tilespmem:s10], [sflag:$0x3], $0x80, v4, vm0, $0xb8;
	[tilespmem:$0x18200] =	vst v63  }
0x10d: {  	v3 =	vadd.s32 v1, v3  }
0x10e: {  	[hbm4b:s4+s2] =	stream.indirect_vreg.scatter [tilespmem:s0], [sflag:$0x3], $0x80, v4, vm0, $0xb8;
	[tilespmem:$0x18200] =	vst v63  }
0x10f: {  	_ = 	snop  }
0x110: {  	[hbm4b:s5+s2] =	stream.indirect_vreg.scatter [tilespmem:s1], [sflag:$0x3], $0x80, v4, vm0, $0xb8;
	[tilespmem:$0x18200] =	vst v63  }
0x111: {  	_ = 	snop  }
0x112: {  	[hbm4b:s3+s2] =	stream.indirect_vreg.scatter [tilespmem:s7], [sflag:$0x3], $0x80, v3, vm0, $0xb8;
	[tilespmem:$0x18200] =	vst v63  }
0x113: {  	_ = 	snop  }
0x114: {  	[hbm4b:s4+s2] =	stream.indirect_vreg.scatter [tilespmem:s8], [sflag:$0x3], $0x80, v3, vm0, $0xb8;
	[tilespmem:$0x18200] =	vst v63  }
0x115: {  	_ = 	snop  }
0x116: {  	[hbm4b:s5+s2] =	stream.indirect_vreg.scatter [tilespmem:s9], [sflag:$0x3], $0x80, v3, vm0, $0xb8;
	[tilespmem:$0x18200] =	vst v63  }
0x117: {  	v3 =	vld [tilespmem:$0x190];
	_ =	sdelay $0x4  }
0x118: {  	v61 =	vshrl.u32 v3, $0x3  }
0x119: {  	v4 =	vmul.u32 $0x30, v61  }
0x11a: {  	v3 =	vand.u32 $0x7, v3  }
0x11b: {  	v3 =	vor.u32 v3, v4  }
0x11c: {  	v4 =	vperm.xlane v3, v0;
	_ =	sdelay $0x1  }
0x11d: {  	v4 =	vadd.s32 v1, v4;
	_ =	sdelay $0x3  }
0x11e: {  	v3 =	vperm.xlane v3, v2  }
0x11f: {  	[hbm4b:s3+s2] =	stream.indirect_vreg.scatter [tilespmem:s11], [sflag:$0x3], $0x80, v4, vm0, $0xb8;
	[tilespmem:$0x18200] =	vst v63  }
0x120: {  	v3 =	vadd.s32 v1, v3  }
0x121: {  	[hbm4b:s4+s2] =	stream.indirect_vreg.scatter [tilespmem:s12], [sflag:$0x3], $0x80, v4, vm0, $0xb8;
	[tilespmem:$0x18200] =	vst v63  }
0x122: {  	_ = 	snop  }
0x123: {  	[hbm4b:s5+s2] =	stream.indirect_vreg.scatter [tilespmem:s13], [sflag:$0x3], $0x80, v4, vm0, $0xb8;
	[tilespmem:$0x18200] =	vst v63  }
0x124: {  	_ = 	snop  }
0x125: {  	[hbm4b:s3+s2] =	stream.indirect_vreg.scatter [tilespmem:s14], [sflag:$0x3], $0x80, v3, vm0, $0xb8;
	[tilespmem:$0x18200] =	vst v63  }
0x126: {  	_ = 	snop  }
0x127: {  	[hbm4b:s4+s2] =	stream.indirect_vreg.scatter [tilespmem:s16], [sflag:$0x3], $0x80, v3, vm0, $0xb8;
	[tilespmem:$0x18200] =	vst v63  }
0x128: {  	_ = 	snop  }
0x129: {  	[hbm4b:s5+s2] =	stream.indirect_vreg.scatter [tilespmem:s17], [sflag:$0x3], $0x80, v3, vm0, $0xb8;
	[tilespmem:$0x18200] =	vst v63  }
0x12a: {  	v3 =	vld [tilespmem:$0x1A0];
	_ =	sdelay $0x4  }
0x12b: {  	v62 =	vshrl.u32 v3, $0x3  }
0x12c: {  	v4 =	vmul.u32 $0x30, v62  }
0x12d: {  	v3 =	vand.u32 $0x7, v3  }
0x12e: {  	v3 =	vor.u32 v3, v4  }
0x12f: {  	v4 =	vperm.xlane v3, v0;
	_ =	sdelay $0x1  }
0x130: {  	v4 =	vadd.s32 v1, v4;
	_ =	sdelay $0x3  }
0x131: {  	v3 =	vperm.xlane v3, v2  }
0x132: {  	[hbm4b:s3+s2] =	stream.indirect_vreg.scatter [tilespmem:s18], [sflag:$0x3], $0x80, v4, vm0, $0xb8;
	[tilespmem:$0x18200] =	vst v63  }
0x133: {  	v3 =	vadd.s32 v1, v3  }
0x134: {  	[hbm4b:s4+s2] =	stream.indirect_vreg.scatter [tilespmem:s19], [sflag:$0x3], $0x80, v4, vm0, $0xb8;
	[tilespmem:$0x18200] =	vst v63  }
0x135: {  	_ = 	snop  }
0x136: {  	[hbm4b:s5+s2] =	stream.indirect_vreg.scatter [tilespmem:s20], [sflag:$0x3], $0x80, v4, vm0, $0xb8;
	[tilespmem:$0x18200] =	vst v63  }
0x137: {  	_ = 	snop  }
0x138: {  	[hbm4b:s3+s2] =	stream.indirect_vreg.scatter [tilespmem:s21], [sflag:$0x3], $0x80, v3, vm0, $0xb8;
	[tilespmem:$0x18200] =	vst v63  }
0x139: {  	_ = 	snop  }
0x13a: {  	[hbm4b:s4+s2] =	stream.indirect_vreg.scatter [tilespmem:s22], [sflag:$0x3], $0x80, v3, vm0, $0xb8;
	[tilespmem:$0x18200] =	vst v63  }
0x13b: {  	_ = 	snop  }
0x13c: {  	[hbm4b:s5+s2] =	stream.indirect_vreg.scatter [tilespmem:s23], [sflag:$0x3], $0x80, v3, vm0, $0xb8;
	[tilespmem:$0x18200] =	vst v63  }
0x13d: {  	v3 =	vld [tilespmem:$0x1B0];
	_ =	sdelay $0x4  }
0x13e: {  	v63 =	vshrl.u32 v3, $0x3  }
0x13f: {  	v4 =	vmul.u32 $0x30, v63  }
0x140: {  	v3 =	vand.u32 $0x7, v3  }
0x141: {  	v3 =	vor.u32 v3, v4  }
0x142: {  	v4 =	vperm.xlane v3, v0;
	_ =	sdelay $0x1  }
0x143: {  	v4 =	vadd.s32 v1, v4;
	_ =	sdelay $0x3  }
0x144: {  	v3 =	vperm.xlane v3, v2  }
0x145: {  	[hbm4b:s3+s2] =	stream.indirect_vreg.scatter [tilespmem:s24], [sflag:$0x3], $0x80, v4, vm0, $0xb8;
	[tilespmem:$0x18200] =	vst v63  }
0x146: {  	v3 =	vadd.s32 v1, v3  }
0x147: {  	[hbm4b:s4+s2] =	stream.indirect_vreg.scatter [tilespmem:s25], [sflag:$0x3], $0x80, v4, vm0, $0xb8;
	[tilespmem:$0x18200] =	vst v63  }
0x148: {  	_ = 	snop  }
0x149: {  	[hbm4b:s5+s2] =	stream.indirect_vreg.scatter [tilespmem:s26], [sflag:$0x3], $0x80, v4, vm0, $0xb8;
	[tilespmem:$0x18200] =	vst v63  }
0x14a: {  	_ = 	snop  }
0x14b: {  	[hbm4b:s3+s2] =	stream.indirect_vreg.scatter [tilespmem:s28], [sflag:$0x3], $0x80, v3, vm0, $0xb8;
	[tilespmem:$0x18200] =	vst v63  }
0x14c: {  	_ = 	snop  }
0x14d: {  	[hbm4b:s4+s2] =	stream.indirect_vreg.scatter [tilespmem:s29], [sflag:$0x3], $0x80, v3, vm0, $0xb8;
	[tilespmem:$0x18200] =	vst v63  }
0x14e: {  	_ = 	snop  }
0x14f: {  	[hbm4b:s5+s2] =	stream.indirect_vreg.scatter [tilespmem:s30], [sflag:$0x3], $0x80, v3, vm0, $0xb8;
	[tilespmem:$0x18200] =	vst v63  }
0x150: {  	_ =	swait.ge [sflag:s15], $0xC000  }
0x151: {  	[sflag:s15] =	ssyncset.done $0x0  }
0x152: {  	[sflag:s15] =	ssyncadd.s32 $0xFFFF4000  }
0x153: {  	_ =	swait.ge [sflag:s15], $0xC000  }
0x154: {  	[sflag:s15] =	ssyncset.done $0x0  }
0x155: {  	[sflag:s15] =	ssyncadd.s32 $0xFFFF4000  }
0x156: {  	p0 =	sne.s32 s6, $0x1;
	_ =	swait.ge [sflag:s15], $0xC000  }
.Ltmp0:
0x157: {  	[sflag:s15] =	ssyncset.done $0x0;
	(pc) =	sbr.rel @p0 .LBB2_1-.Ltmp0, $4  }
0x158: {  	[sflag:s15] =	ssyncadd.s32 $0xFFFF4000  }
0x159: {  	_ =	swait.ge [sflag:s15], $0xC000  }
0x15a: {  	[sflag:s15] =	ssyncset.done $0x0  }
0x15b: {  	s6 =	sadd.s32 $0xFFFFFFFF, s6;
	[sflag:s15] =	ssyncadd.s32 $0xFFFF4000  }
0x15c: {  	_ =	sfence.sel $0x180000  }
0x15d: {  	[bflag:$0x0] =	sbarrier.arrive $0xFFFF  }
0x15e: {  	_ =	strace $0x90000047  }
0x15f: {  	s0 =	stileid.u32;
	[bflag:$0x2] =	sbarrier.arrive $0xFFFF  }
0x160: {  	p0 =	sne.s32 s0, $0x0;
	s0 =	rddreg [dreg:$0x2]  }
0x161: {  	s0 =	sadd.s32 @!p0 $0x100000, s0  }
0x162: {  	[sflag:s0] =	ssyncadd.tile.s32 @!p0 $0x1;
	_ =	shalt  }
.Lfunc_end2:
_tile_overlayer_lowered:
.L_overlay_start_2:
0x163: {  	(tag) =	ssettag $0x2  }
0x164: {  	s0 =	rddreg [dreg:$0x0];
	s2 =	stileid.u32  }
0x165: {  	s1 =	rddreg [dreg:$0x1];
	p0 =	sne.s32 s2, $0x0  }
0x166: {  	s3 =	rddreg [dreg:$0x2];
	[bflag:$0x3] =	sbarrier.arrive $0xFFFF;
	s2 =	simm.s32 @!p0 $0x1C04  }
0x167: {  	[timem:s3], [sflag:s2] =	dma.local @!p0 [hbm:s0], s1  }
0x168: {  	s0 =	simm.s32 @!p0 $0x4  }
0x169: {  	_ =	swait.ge @!p0 [sflag:s0], s1  }
0x16a: {  	s1 =	ssub.s32 @!p0 $0x0, s1;
	[sflag:s0] =	ssyncset.done @!p0 $0x0  }
0x16b: {  	[sflag:s0] =	ssyncadd.s32 @!p0 s1  }
0x16c: {  	[bflag:$0x3] =	sbarrier.arrive $0xFFFF  }
0x16d: {  	_ =	shalt  }

</sc_bundles>
